<compile_context>
chip_gen: v7x
topology: tpu7x:2x2x1
jax: 0.10.2.dev20260603
libtpu: 0.0.44.dev20260713+nightly
codegen_flags: <defaults>
</compile_context>

<pallas_src>
import functools

import jax
import jax.numpy as jnp
from jax import lax
from jax.experimental import pallas as pl
from jax.experimental.pallas import tpu as pltpu
from jax.experimental.pallas import tpu_sc as plsc


_TBLK = 32768


def _tc_transpose(table_t, n_rows, wide_rows):
    n_blocks = (n_rows + _TBLK - 1) // _TBLK
    wpb = _TBLK // 4

    def body(in_ref, out_ref):
        x = in_ref[...]
        x4 = jnp.concatenate([x[:, k * wpb:(k + 1) * wpb] for k in range(4)],
                             axis=0)
        eye = jnp.float32(
            lax.broadcasted_iota(jnp.int32, (128, 128), 0) ==
            lax.broadcasted_iota(jnp.int32, (128, 128), 1))
        out_ref[...] = lax.dot_general(x4, eye, (((0,), (0,)), ((), ())),
                                       preferred_element_type=jnp.float32)

    return pl.pallas_call(
        body,
        grid=(n_blocks,),
        in_specs=[pl.BlockSpec((32, _TBLK), lambda i: (0, i))],
        out_specs=pl.BlockSpec((wpb, 128), lambda i: (i, 0)),
        out_shape=jax.ShapeDtypeStruct((wide_rows, 128), jnp.float32),
    )(table_t)


def _make_sc_gather(n_rows_total, n_cond, chunk, n_chunks_per_worker,
                    n_workers, n_cores):
    mesh = plsc.VectorSubcoreMesh(core_axis_name="c", subcore_axis_name="s")
    rows_per_worker = chunk * n_chunks_per_worker
    epw = 2 * rows_per_worker
    epc = 2 * chunk
    phase_step = chunk % n_cond

    @functools.partial(
        pl.kernel,
        out_type=jax.ShapeDtypeStruct((2 * n_rows_total, 16), jnp.float32),
        mesh=mesh,
        scratch_types=[
            pltpu.VMEM((epw // 128, 128), jnp.int32),
            pltpu.VMEM(((n_cond + chunk) * 32,), jnp.float32),
            pltpu.VMEM((epc, 16), jnp.float32),
            pltpu.VMEM((epc, 16), jnp.float32),
            pltpu.SemaphoreType.DMA,
            pltpu.SemaphoreType.DMA,
        ],
        compiler_params=pltpu.CompilerParams(use_tc_tiling_on_sc=False),
    )
    def sc_kernel(ids_hbm, table_hbm, pat_hbm, out_hbm, idx_v, pat_v, gbuf0,
                  gbuf1, sem0, sem1):
        wid = lax.axis_index("s") * n_cores + lax.axis_index("c")
        pltpu.sync_copy(ids_hbm.at[wid], idx_v)
        pltpu.sync_copy(pat_hbm, pat_v)

        def fire(g, gb, sem):
            pltpu.async_copy(table_hbm.at[idx_v.at[2 * g]],
                             gb.at[pl.ds(0, 128)], sem)
            pltpu.async_copy(table_hbm.at[idx_v.at[2 * g + 1]],
                             gb.at[pl.ds(128, 128)], sem)

        def drain(g, gb, sem):
            pltpu.make_async_copy(table_hbm.at[idx_v.at[2 * g]],
                                  gb.at[pl.ds(0, 128)], sem).wait()
            pltpu.make_async_copy(table_hbm.at[idx_v.at[2 * g + 1]],
                                  gb.at[pl.ds(128, 128)], sem).wait()

        def add_and_writeback(g, gb):
            p = lax.rem(g * phase_step, n_cond) * 32

            def add_body(rr, c2):
                plsc.addupdate(gb.at[rr, pl.ds(0, 16)],
                               pat_v[pl.ds(p + rr * 16, 16)])
                return c2

            lax.fori_loop(0, epc, add_body, 0, unroll=8)
            pltpu.sync_copy(gb, out_hbm.at[pl.ds(wid * epw + g * epc, epc)])

        fire(0, gbuf0, sem0)

        def pair_body(pr, carry):
            g0 = 2 * pr
            g1 = g0 + 1
            fire(g1, gbuf1, sem1)
            drain(g0, gbuf0, sem0)
            add_and_writeback(g0, gbuf0)

            @pl.when(g1 + 1 < n_chunks_per_worker)
            def _():
                fire(g1 + 1, gbuf0, sem0)

            drain(g1, gbuf1, sem1)
            add_and_writeback(g1, gbuf1)
            return carry

        lax.fori_loop(0, n_chunks_per_worker // 2, pair_body, 0)

    return sc_kernel


def kernel(cat_ids, cond_table, cat_table):
    b, n_cond = cat_ids.shape
    dim = cat_table.shape[1]
    n_rows_table = cat_table.shape[0]
    n_cat = n_rows_table // n_cond

    info = plsc.get_sparse_core_info()
    n_cores, n_subcores = info.num_cores, info.num_subcores
    n_workers = n_cores * n_subcores

    n_rows = b * n_cond
    chunk = 128
    rows_per_worker = n_rows // n_workers
    n_chunks_per_worker = rows_per_worker // chunk
    assert rows_per_worker % chunk == 0

    wpb = _TBLK // 4
    wide_rows = wpb * ((n_rows_table + _TBLK - 1) // _TBLK)

    wide = _tc_transpose(cat_table.T, n_rows_table, wide_rows)
    tbl16 = wide.reshape(wide_rows * 8, 16)

    offsets = jnp.arange(n_cond, dtype=jnp.int32) * n_cat
    r = (cat_ids.astype(jnp.int32) + offsets[None, :]).reshape(-1)
    e0 = ((r // _TBLK) * wpb + (r % wpb)) * 8 + ((r % _TBLK) // wpb) * 2
    ids_dbl = (e0[:, None] + jnp.arange(2, dtype=jnp.int32)[None, :]).reshape(
        n_workers, 2 * rows_per_worker // 128, 128)

    reps = (n_cond + chunk + n_cond - 1) // n_cond
    pat = jnp.tile(cond_table[1:n_cond + 1],
                   (reps, 1)).reshape(-1)[:(n_cond + chunk) * dim]

    sc_gather = _make_sc_gather(n_rows, n_cond, chunk, n_chunks_per_worker,
                                n_workers, n_cores)
    out = sc_gather(ids_dbl, tbl16, pat)
    return out.reshape(b, n_cond, dim)

# --- scband reference (transcript-rebuilt; emitter-appended) ---
"""Pipeline reference for scband-discrete-valued-condition-embedding-25340307046858 (READ-ONLY COPY).

The authoritative reference and input builder live on the scoring server;
editing this copy changes nothing except your own understanding.
"""

import jax, jax.numpy as jnp
import numpy as np

N_COND = 26
N_CAT = 100000
DIM = 32
B = 16384


def setup_inputs(seed: int = 0) -> dict:
    key = jax.random.key(seed)
    k1, k2, k3 = jax.random.split(key, 3)
    cat_ids = jax.random.randint(k1, (B, N_COND), 0, N_CAT)
    # condition embedding table, xavier-normal-ish init, padding_idx=0 zeroed
    std_cond = (2.0 / (N_COND + 1 + DIM)) ** 0.5
    cond_table = jax.random.normal(k2, (N_COND + 1, DIM), dtype=jnp.float32) * std_cond
    cond_table = cond_table.at[0].set(0.0)
    # flattened category embedding table: sum of n_categories_per_condition rows
    std_cat = (2.0 / (N_COND * N_CAT + DIM)) ** 0.5
    cat_table = jax.random.normal(k3, (N_COND * N_CAT, DIM), dtype=jnp.float32) * std_cat
    return {"cat_ids": cat_ids, "cond_table": cond_table, "cat_table": cat_table}


def reference(cat_ids, cond_table, cat_table):
    # cat_ids: [B, n_conditions], per-condition category ids in [0, N_CAT)
    n_cond = cat_ids.shape[1]
    # offsets correspond to _cat_embed_start_per_cond (cumsum of n_categories_per_condition)
    offsets = (jnp.arange(n_cond, dtype=cat_ids.dtype) * N_CAT)
    flat_ids = cat_ids + offsets[None, :]
    cat_emb = jnp.take(cat_table, flat_ids, axis=0)  # [B, n_cond, DIM]
    # condition embeddings: rows 1..n_cond (row 0 is padding)
    cond_emb = jnp.take(cond_table, jnp.arange(1, n_cond + 1), axis=0)  # [n_cond, DIM]
    return cat_emb + cond_emb[None, :, :]

if __name__ == "__main__":
    import jax
    _d = setup_inputs()
    print(jax.jit(kernel)(*tuple(_d.values())))

</pallas_src>

<mosaic_0001>
#map = affine_map<(d0, d1) -> (0, 0, 0)>
#map1 = affine_map<(d0, d1) -> (0, 0)>
#map2 = affine_map<(d0, d1) -> (0)>
module attributes {stable_mosaic.version = 14 : i64} {
  func.func @sc_kernel(%arg0: i32, %arg1: i32, %arg2: memref<32x208x128xi32, #tpu.memory_space<hbm>>, %arg3: memref<5242880x16xf32, #tpu.memory_space<hbm>>, %arg4: memref<4928xf32, #tpu.memory_space<hbm>>, %arg5: memref<851968x16xf32, #tpu.memory_space<hbm>>, %arg6: memref<208x128xi32, #tpu.memory_space<vmem>>, %arg7: memref<4928xf32, #tpu.memory_space<vmem>>, %arg8: memref<256x16xf32, #tpu.memory_space<vmem>>, %arg9: memref<256x16xf32, #tpu.memory_space<vmem>>, %arg10: memref<!tpu.dma_semaphore, #tpu.memory_space<semaphore_mem>>, %arg11: memref<!tpu.dma_semaphore, #tpu.memory_space<semaphore_mem>>) attributes {dimension_semantics = [#tpu.dimension_semantics<core_parallel>, #tpu.dimension_semantics<subcore_parallel>], iteration_bounds = array<i64: 2, 16>, scalar_prefetch = 0 : i64, scratch_operands = 6 : i64, tpu.core_type = #tpu.core_type<sc_vector_subcore>, window_params = [{transform_indices = #map}, {transform_indices = #map1}, {transform_indices = #map2}, {transform_indices = #map1}]} {
    %mul3A = arith.constant 2 : i32
    %mul3A_0 = arith.muli %arg1, %mul3A : i32
    %add3A = arith.addi %mul3A_0, %arg0 : i32
    "tpu.region"() ({
      %run_scoped3A = tpu.sem_alloc : memref<!tpu.dma_semaphore, #tpu.memory_space<semaphore_mem>>
      %dma_start3A_25 = arith.constant 0 : i32
      %dma_start3A_26 = arith.constant 0 : i32
      %dma_start3A_27 = tpu.memref_slice %arg2[%add3A, %dma_start3A_25, %dma_start3A_26] : memref<32x208x128xi32, #tpu.memory_space<hbm>> -> memref<1x208x128xi32, #tpu.memory_space<hbm>>
      %dma_start3A_28 = tpu.memref_squeeze %dma_start3A_27 : memref<1x208x128xi32, #tpu.memory_space<hbm>> -> memref<208x128xi32, #tpu.memory_space<hbm>>
      %dma_start3A_29 = arith.constant 0 : i32
      %dma_start3A_30 = arith.constant 0 : i32
      %dma_start3A_31 = tpu.memref_slice %arg2[%add3A, %dma_start3A_29, %dma_start3A_30] : memref<32x208x128xi32, #tpu.memory_space<hbm>> -> memref<1x208x128xi32, #tpu.memory_space<hbm>>
      %dma_start3A_32 = tpu.memref_squeeze %dma_start3A_31 : memref<1x208x128xi32, #tpu.memory_space<hbm>> -> memref<208x128xi32, #tpu.memory_space<hbm>>
      tpu.enqueue_dma source(%dma_start3A_32 : memref<208x128xi32, #tpu.memory_space<hbm>>) target(%arg6 : memref<208x128xi32, #tpu.memory_space<vmem>>) target_semaphore(%run_scoped3A : memref<!tpu.dma_semaphore, #tpu.memory_space<semaphore_mem>>)
      %dma_wait3A = arith.constant 0 : i32
      %dma_wait3A_33 = arith.constant 0 : i32
      %dma_wait3A_34 = tpu.memref_slice %arg2[%add3A, %dma_wait3A, %dma_wait3A_33] : memref<32x208x128xi32, #tpu.memory_space<hbm>> -> memref<1x208x128xi32, #tpu.memory_space<hbm>>
      %dma_wait3A_35 = tpu.memref_squeeze %dma_wait3A_34 : memref<1x208x128xi32, #tpu.memory_space<hbm>> -> memref<208x128xi32, #tpu.memory_space<hbm>>
      %dma_wait3A_36 = arith.constant 0 : i32
      %dma_wait3A_37 = arith.constant 0 : i32
      %dma_wait3A_38 = tpu.memref_slice %arg2[%add3A, %dma_wait3A_36, %dma_wait3A_37] : memref<32x208x128xi32, #tpu.memory_space<hbm>> -> memref<1x208x128xi32, #tpu.memory_space<hbm>>
      %dma_wait3A_39 = tpu.memref_squeeze %dma_wait3A_38 : memref<1x208x128xi32, #tpu.memory_space<hbm>> -> memref<208x128xi32, #tpu.memory_space<hbm>>
      tpu.wait_dma2 semaphore(%run_scoped3A : memref<!tpu.dma_semaphore, #tpu.memory_space<semaphore_mem>>) src(%dma_wait3A_39 : memref<208x128xi32, #tpu.memory_space<hbm>>) dst(%arg6 : memref<208x128xi32, #tpu.memory_space<vmem>>)
      tpu.yield
    }) : () -> ()
    "tpu.region"() ({
      %run_scoped3A = tpu.sem_alloc : memref<!tpu.dma_semaphore, #tpu.memory_space<semaphore_mem>>
      tpu.enqueue_dma source(%arg4 : memref<4928xf32, #tpu.memory_space<hbm>>) target(%arg7 : memref<4928xf32, #tpu.memory_space<vmem>>) target_semaphore(%run_scoped3A : memref<!tpu.dma_semaphore, #tpu.memory_space<semaphore_mem>>)
      tpu.wait_dma2 semaphore(%run_scoped3A : memref<!tpu.dma_semaphore, #tpu.memory_space<semaphore_mem>>) src(%arg4 : memref<4928xf32, #tpu.memory_space<hbm>>) dst(%arg7 : memref<4928xf32, #tpu.memory_space<vmem>>)
      tpu.yield
    }) : () -> ()
    %dma_start3A = arith.constant 0 : i32
    %dma_start3A_1 = arith.constant 0 : i32
    %dma_start3A_2 = arith.constant 0 : i32
    %dma_start3A_3 = tpu.memref_slice %arg8[%dma_start3A_1, %dma_start3A_2] : memref<256x16xf32, #tpu.memory_space<vmem>> -> memref<128x16xf32, #tpu.memory_space<vmem>>
    %dma_start3A_4 = arith.constant 0 : i32
    %dma_start3A_5 = tpu.memref_slice %arg6[%dma_start3A, %dma_start3A_4] : memref<208x128xi32, #tpu.memory_space<vmem>> -> memref<1x128xi32, #tpu.memory_space<vmem>>
    %dma_start3A_6 = tpu.memref_squeeze %dma_start3A_5 : memref<1x128xi32, #tpu.memory_space<vmem>> -> memref<128xi32, #tpu.memory_space<vmem>>
    %dma_start3A_7 = arith.constant 0 : i32
    %dma_start3A_8 = arith.constant 0 : i32
    %dma_start3A_9 = tpu.memref_slice %arg3[%dma_start3A_7, %dma_start3A_8] : memref<5242880x16xf32, #tpu.memory_space<hbm>> -> memref<5242880x16xf32, #tpu.memory_space<hbm>>
    tpu.enqueue_indirect_dma source(%dma_start3A_9 : memref<5242880x16xf32, #tpu.memory_space<hbm>>) target(%dma_start3A_3 : memref<128x16xf32, #tpu.memory_space<vmem>>) offsets(%dma_start3A_6 : memref<128xi32, #tpu.memory_space<vmem>>) semaphore(%arg10 : memref<!tpu.dma_semaphore, #tpu.memory_space<semaphore_mem>>)
    %dma_start3A_10 = arith.constant 1 : i32
    %dma_start3A_11 = arith.constant 128 : i32
    %dma_start3A_12 = arith.constant 0 : i32
    %dma_start3A_13 = tpu.memref_slice %arg8[%dma_start3A_11, %dma_start3A_12] : memref<256x16xf32, #tpu.memory_space<vmem>> -> memref<128x16xf32, #tpu.memory_space<vmem>>
    %dma_start3A_14 = arith.constant 0 : i32
    %dma_start3A_15 = tpu.memref_slice %arg6[%dma_start3A_10, %dma_start3A_14] : memref<208x128xi32, #tpu.memory_space<vmem>> -> memref<1x128xi32, #tpu.memory_space<vmem>>
    %dma_start3A_16 = tpu.memref_squeeze %dma_start3A_15 : memref<1x128xi32, #tpu.memory_space<vmem>> -> memref<128xi32, #tpu.memory_space<vmem>>
    %dma_start3A_17 = arith.constant 0 : i32
    %dma_start3A_18 = arith.constant 0 : i32
    %dma_start3A_19 = tpu.memref_slice %arg3[%dma_start3A_17, %dma_start3A_18] : memref<5242880x16xf32, #tpu.memory_space<hbm>> -> memref<5242880x16xf32, #tpu.memory_space<hbm>>
    tpu.enqueue_indirect_dma source(%dma_start3A_19 : memref<5242880x16xf32, #tpu.memory_space<hbm>>) target(%dma_start3A_13 : memref<128x16xf32, #tpu.memory_space<vmem>>) offsets(%dma_start3A_16 : memref<128xi32, #tpu.memory_space<vmem>>) semaphore(%arg10 : memref<!tpu.dma_semaphore, #tpu.memory_space<semaphore_mem>>)
    %scan3A = arith.constant 0 : i32
    %scan3A_20 = arith.constant 0 : i32
    %scan3A_21 = arith.constant 52 : i32
    %scan3A_22 = arith.addi %scan3A_20, %scan3A_21 : i32
    %scan3A_23 = arith.constant 1 : i32
    scf.for %scan3A_25 = %scan3A_20 to %scan3A_22 step %scan3A_23  : i32 {
      %mul3A_26 = arith.constant 2 : i32
      %mul3A_27 = arith.muli %mul3A_26, %scan3A_25 : i32
      %add3A_28 = arith.constant 1 : i32
      %add3A_29 = arith.addi %mul3A_27, %add3A_28 : i32
      %mul3A_30 = arith.constant 2 : i32
      %mul3A_31 = arith.muli %mul3A_30, %add3A_29 : i32
      %dma_start3A_32 = arith.constant 0 : i32
      %dma_start3A_33 = arith.constant 0 : i32
      %dma_start3A_34 = tpu.memref_slice %arg9[%dma_start3A_32, %dma_start3A_33] : memref<256x16xf32, #tpu.memory_space<vmem>> -> memref<128x16xf32, #tpu.memory_space<vmem>>
      %dma_start3A_35 = arith.constant 0 : i32
      %dma_start3A_36 = tpu.memref_slice %arg6[%mul3A_31, %dma_start3A_35] : memref<208x128xi32, #tpu.memory_space<vmem>> -> memref<1x128xi32, #tpu.memory_space<vmem>>
      %dma_start3A_37 = tpu.memref_squeeze %dma_start3A_36 : memref<1x128xi32, #tpu.memory_space<vmem>> -> memref<128xi32, #tpu.memory_space<vmem>>
      %dma_start3A_38 = arith.constant 0 : i32
      %dma_start3A_39 = arith.constant 0 : i32
      %dma_start3A_40 = tpu.memref_slice %arg3[%dma_start3A_38, %dma_start3A_39] : memref<5242880x16xf32, #tpu.memory_space<hbm>> -> memref<5242880x16xf32, #tpu.memory_space<hbm>>
      tpu.enqueue_indirect_dma source(%dma_start3A_40 : memref<5242880x16xf32, #tpu.memory_space<hbm>>) target(%dma_start3A_34 : memref<128x16xf32, #tpu.memory_space<vmem>>) offsets(%dma_start3A_37 : memref<128xi32, #tpu.memory_space<vmem>>) semaphore(%arg11 : memref<!tpu.dma_semaphore, #tpu.memory_space<semaphore_mem>>)
      %mul3A_41 = arith.constant 2 : i32
      %mul3A_42 = arith.muli %mul3A_41, %add3A_29 : i32
      %add3A_43 = arith.constant 1 : i32
      %add3A_44 = arith.addi %mul3A_42, %add3A_43 : i32
      %dma_start3A_45 = arith.constant 128 : i32
      %dma_start3A_46 = arith.constant 0 : i32
      %dma_start3A_47 = tpu.memref_slice %arg9[%dma_start3A_45, %dma_start3A_46] : memref<256x16xf32, #tpu.memory_space<vmem>> -> memref<128x16xf32, #tpu.memory_space<vmem>>
      %dma_start3A_48 = arith.constant 0 : i32
      %dma_start3A_49 = tpu.memref_slice %arg6[%add3A_44, %dma_start3A_48] : memref<208x128xi32, #tpu.memory_space<vmem>> -> memref<1x128xi32, #tpu.memory_space<vmem>>
      %dma_start3A_50 = tpu.memref_squeeze %dma_start3A_49 : memref<1x128xi32, #tpu.memory_space<vmem>> -> memref<128xi32, #tpu.memory_space<vmem>>
      %dma_start3A_51 = arith.constant 0 : i32
      %dma_start3A_52 = arith.constant 0 : i32
      %dma_start3A_53 = tpu.memref_slice %arg3[%dma_start3A_51, %dma_start3A_52] : memref<5242880x16xf32, #tpu.memory_space<hbm>> -> memref<5242880x16xf32, #tpu.memory_space<hbm>>
      tpu.enqueue_indirect_dma source(%dma_start3A_53 : memref<5242880x16xf32, #tpu.memory_space<hbm>>) target(%dma_start3A_47 : memref<128x16xf32, #tpu.memory_space<vmem>>) offsets(%dma_start3A_50 : memref<128xi32, #tpu.memory_space<vmem>>) semaphore(%arg11 : memref<!tpu.dma_semaphore, #tpu.memory_space<semaphore_mem>>)
      %mul3A_54 = arith.constant 2 : i32
      %mul3A_55 = arith.muli %mul3A_54, %mul3A_27 : i32
      %dma_wait3A = arith.constant 0 : i32
      %dma_wait3A_56 = arith.constant 0 : i32
      %dma_wait3A_57 = tpu.memref_slice %arg8[%dma_wait3A, %dma_wait3A_56] : memref<256x16xf32, #tpu.memory_space<vmem>> -> memref<128x16xf32, #tpu.memory_space<vmem>>
      %dma_wait3A_58 = arith.constant 0 : i32
      %dma_wait3A_59 = tpu.memref_slice %arg6[%mul3A_55, %dma_wait3A_58] : memref<208x128xi32, #tpu.memory_space<vmem>> -> memref<1x128xi32, #tpu.memory_space<vmem>>
      %dma_wait3A_60 = tpu.memref_squeeze %dma_wait3A_59 : memref<1x128xi32, #tpu.memory_space<vmem>> -> memref<128xi32, #tpu.memory_space<vmem>>
      %dma_wait3A_61 = arith.constant 0 : i32
      %dma_wait3A_62 = arith.constant 0 : i32
      %dma_wait3A_63 = tpu.memref_slice %arg3[%dma_wait3A_61, %dma_wait3A_62] : memref<5242880x16xf32, #tpu.memory_space<hbm>> -> memref<5242880x16xf32, #tpu.memory_space<hbm>>
      tpu.wait_indirect_dma semaphore(%arg10 : memref<!tpu.dma_semaphore, #tpu.memory_space<semaphore_mem>>) src(%dma_wait3A_63 : memref<5242880x16xf32, #tpu.memory_space<hbm>>) dst(%dma_wait3A_57 : memref<128x16xf32, #tpu.memory_space<vmem>>)
      %mul3A_64 = arith.constant 2 : i32
      %mul3A_65 = arith.muli %mul3A_64, %mul3A_27 : i32
      %add3A_66 = arith.constant 1 : i32
      %add3A_67 = arith.addi %mul3A_65, %add3A_66 : i32
      %dma_wait3A_68 = arith.constant 128 : i32
      %dma_wait3A_69 = arith.constant 0 : i32
      %dma_wait3A_70 = tpu.memref_slice %arg8[%dma_wait3A_68, %dma_wait3A_69] : memref<256x16xf32, #tpu.memory_space<vmem>> -> memref<128x16xf32, #tpu.memory_space<vmem>>
      %dma_wait3A_71 = arith.constant 0 : i32
      %dma_wait3A_72 = tpu.memref_slice %arg6[%add3A_67, %dma_wait3A_71] : memref<208x128xi32, #tpu.memory_space<vmem>> -> memref<1x128xi32, #tpu.memory_space<vmem>>
      %dma_wait3A_73 = tpu.memref_squeeze %dma_wait3A_72 : memref<1x128xi32, #tpu.memory_space<vmem>> -> memref<128xi32, #tpu.memory_space<vmem>>
      %dma_wait3A_74 = arith.constant 0 : i32
      %dma_wait3A_75 = arith.constant 0 : i32
      %dma_wait3A_76 = tpu.memref_slice %arg3[%dma_wait3A_74, %dma_wait3A_75] : memref<5242880x16xf32, #tpu.memory_space<hbm>> -> memref<5242880x16xf32, #tpu.memory_space<hbm>>
      tpu.wait_indirect_dma semaphore(%arg10 : memref<!tpu.dma_semaphore, #tpu.memory_space<semaphore_mem>>) src(%dma_wait3A_76 : memref<5242880x16xf32, #tpu.memory_space<hbm>>) dst(%dma_wait3A_70 : memref<128x16xf32, #tpu.memory_space<vmem>>)
      %mul3A_77 = arith.constant 24 : i32
      %mul3A_78 = arith.muli %mul3A_27, %mul3A_77 : i32
      %rem3A = arith.constant 26 : i32
      %rem3A_79 = arith.remsi %mul3A_78, %rem3A : i32
      %mul3A_80 = arith.constant 32 : i32
      %mul3A_81 = arith.muli %rem3A_79, %mul3A_80 : i32
      %scan3A_82 = arith.constant 0 : i32
      %scan3A_83 = arith.constant 0 : i32
      %scan3A_84 = arith.constant 256 : i32
      %scan3A_85 = arith.addi %scan3A_83, %scan3A_84 : i32
      %scan3A_86 = arith.constant 8 : i32
      scf.for %scan3A_138 = %scan3A_83 to %scan3A_85 step %scan3A_86  : i32 {
        %mul3A_139 = arith.constant 16 : i32
        %mul3A_140 = arith.muli %scan3A_138, %mul3A_139 : i32
        %add3A_141 = arith.addi %mul3A_81, %mul3A_140 : i32
        %get3A = arith.index_cast %add3A_141 : i32 to index
        %get3A_142 = tpu.vector_load %arg7[%get3A] {strides = array<i32>} : memref<4928xf32, #tpu.memory_space<vmem>>, vector<16xf32>,
        %get3A_143 = vector.shape_cast %get3A_142 : vector<16xf32> to vector<16xf32>
        %swap3A = arith.index_cast %scan3A_138 : i32 to index
        %swap3A_144 = arith.constant 0 : index
        %swap3A_145 = tpu.vector_load %arg8[%swap3A, %swap3A_144] {strides = array<i32>} : memref<256x16xf32, #tpu.memory_space<vmem>>, vector<1x16xf32>,
        %swap3A_146 = vector.shape_cast %swap3A_145 : vector<1x16xf32> to vector<16xf32>
        %swap3A_147 = vector.shape_cast %get3A_143 : vector<16xf32> to vector<1x16xf32>
        tpu.vector_store %arg8[%swap3A, %swap3A_144], %swap3A_147 {add = true, strides = array<i32>} : memref<256x16xf32, #tpu.memory_space<vmem>>, vector<1x16xf32>,
        %scan3A_148 = arith.constant 1 : i32
        %scan3A_149 = arith.addi %scan3A_138, %scan3A_148 : i32
        %mul3A_150 = arith.constant 16 : i32
        %mul3A_151 = arith.muli %scan3A_149, %mul3A_150 : i32
        %add3A_152 = arith.addi %mul3A_81, %mul3A_151 : i32
        %get3A_153 = arith.index_cast %add3A_152 : i32 to index
        %get3A_154 = tpu.vector_load %arg7[%get3A_153] {strides = array<i32>} : memref<4928xf32, #tpu.memory_space<vmem>>, vector<16xf32>,
        %get3A_155 = vector.shape_cast %get3A_154 : vector<16xf32> to vector<16xf32>
        %swap3A_156 = arith.index_cast %scan3A_149 : i32 to index
        %swap3A_157 = arith.constant 0 : index
        %swap3A_158 = tpu.vector_load %arg8[%swap3A_156, %swap3A_157] {strides = array<i32>} : memref<256x16xf32, #tpu.memory_space<vmem>>, vector<1x16xf32>,
        %swap3A_159 = vector.shape_cast %swap3A_158 : vector<1x16xf32> to vector<16xf32>
        %swap3A_160 = vector.shape_cast %get3A_155 : vector<16xf32> to vector<1x16xf32>
        tpu.vector_store %arg8[%swap3A_156, %swap3A_157], %swap3A_160 {add = true, strides = array<i32>} : memref<256x16xf32, #tpu.memory_space<vmem>>, vector<1x16xf32>,
        %scan3A_161 = arith.constant 2 : i32
        %scan3A_162 = arith.addi %scan3A_138, %scan3A_161 : i32
        %mul3A_163 = arith.constant 16 : i32
        %mul3A_164 = arith.muli %scan3A_162, %mul3A_163 : i32
        %add3A_165 = arith.addi %mul3A_81, %mul3A_164 : i32
        %get3A_166 = arith.index_cast %add3A_165 : i32 to index
        %get3A_167 = tpu.vector_load %arg7[%get3A_166] {strides = array<i32>} : memref<4928xf32, #tpu.memory_space<vmem>>, vector<16xf32>,
        %get3A_168 = vector.shape_cast %get3A_167 : vector<16xf32> to vector<16xf32>
        %swap3A_169 = arith.index_cast %scan3A_162 : i32 to index
        %swap3A_170 = arith.constant 0 : index
        %swap3A_171 = tpu.vector_load %arg8[%swap3A_169, %swap3A_170] {strides = array<i32>} : memref<256x16xf32, #tpu.memory_space<vmem>>, vector<1x16xf32>,
        %swap3A_172 = vector.shape_cast %swap3A_171 : vector<1x16xf32> to vector<16xf32>
        %swap3A_173 = vector.shape_cast %get3A_168 : vector<16xf32> to vector<1x16xf32>
        tpu.vector_store %arg8[%swap3A_169, %swap3A_170], %swap3A_173 {add = true, strides = array<i32>} : memref<256x16xf32, #tpu.memory_space<vmem>>, vector<1x16xf32>,
        %scan3A_174 = arith.constant 3 : i32
        %scan3A_175 = arith.addi %scan3A_138, %scan3A_174 : i32
        %mul3A_176 = arith.constant 16 : i32
        %mul3A_177 = arith.muli %scan3A_175, %mul3A_176 : i32
        %add3A_178 = arith.addi %mul3A_81, %mul3A_177 : i32
        %get3A_179 = arith.index_cast %add3A_178 : i32 to index
        %get3A_180 = tpu.vector_load %arg7[%get3A_179] {strides = array<i32>} : memref<4928xf32, #tpu.memory_space<vmem>>, vector<16xf32>,
        %get3A_181 = vector.shape_cast %get3A_180 : vector<16xf32> to vector<16xf32>
        %swap3A_182 = arith.index_cast %scan3A_175 : i32 to index
        %swap3A_183 = arith.constant 0 : index
        %swap3A_184 = tpu.vector_load %arg8[%swap3A_182, %swap3A_183] {strides = array<i32>} : memref<256x16xf32, #tpu.memory_space<vmem>>, vector<1x16xf32>,
        %swap3A_185 = vector.shape_cast %swap3A_184 : vector<1x16xf32> to vector<16xf32>
        %swap3A_186 = vector.shape_cast %get3A_181 : vector<16xf32> to vector<1x16xf32>
        tpu.vector_store %arg8[%swap3A_182, %swap3A_183], %swap3A_186 {add = true, strides = array<i32>} : memref<256x16xf32, #tpu.memory_space<vmem>>, vector<1x16xf32>,
        %scan3A_187 = arith.constant 4 : i32
        %scan3A_188 = arith.addi %scan3A_138, %scan3A_187 : i32
        %mul3A_189 = arith.constant 16 : i32
        %mul3A_190 = arith.muli %scan3A_188, %mul3A_189 : i32
        %add3A_191 = arith.addi %mul3A_81, %mul3A_190 : i32
        %get3A_192 = arith.index_cast %add3A_191 : i32 to index
        %get3A_193 = tpu.vector_load %arg7[%get3A_192] {strides = array<i32>} : memref<4928xf32, #tpu.memory_space<vmem>>, vector<16xf32>,
        %get3A_194 = vector.shape_cast %get3A_193 : vector<16xf32> to vector<16xf32>
        %swap3A_195 = arith.index_cast %scan3A_188 : i32 to index
        %swap3A_196 = arith.constant 0 : index
        %swap3A_197 = tpu.vector_load %arg8[%swap3A_195, %swap3A_196] {strides = array<i32>} : memref<256x16xf32, #tpu.memory_space<vmem>>, vector<1x16xf32>,
        %swap3A_198 = vector.shape_cast %swap3A_197 : vector<1x16xf32> to vector<16xf32>
        %swap3A_199 = vector.shape_cast %get3A_194 : vector<16xf32> to vector<1x16xf32>
        tpu.vector_store %arg8[%swap3A_195, %swap3A_196], %swap3A_199 {add = true, strides = array<i32>} : memref<256x16xf32, #tpu.memory_space<vmem>>, vector<1x16xf32>,
        %scan3A_200 = arith.constant 5 : i32
        %scan3A_201 = arith.addi %scan3A_138, %scan3A_200 : i32
        %mul3A_202 = arith.constant 16 : i32
        %mul3A_203 = arith.muli %scan3A_201, %mul3A_202 : i32
        %add3A_204 = arith.addi %mul3A_81, %mul3A_203 : i32
        %get3A_205 = arith.index_cast %add3A_204 : i32 to index
        %get3A_206 = tpu.vector_load %arg7[%get3A_205] {strides = array<i32>} : memref<4928xf32, #tpu.memory_space<vmem>>, vector<16xf32>,
        %get3A_207 = vector.shape_cast %get3A_206 : vector<16xf32> to vector<16xf32>
        %swap3A_208 = arith.index_cast %scan3A_201 : i32 to index
        %swap3A_209 = arith.constant 0 : index
        %swap3A_210 = tpu.vector_load %arg8[%swap3A_208, %swap3A_209] {strides = array<i32>} : memref<256x16xf32, #tpu.memory_space<vmem>>, vector<1x16xf32>,
        %swap3A_211 = vector.shape_cast %swap3A_210 : vector<1x16xf32> to vector<16xf32>
        %swap3A_212 = vector.shape_cast %get3A_207 : vector<16xf32> to vector<1x16xf32>
        tpu.vector_store %arg8[%swap3A_208, %swap3A_209], %swap3A_212 {add = true, strides = array<i32>} : memref<256x16xf32, #tpu.memory_space<vmem>>, vector<1x16xf32>,
        %scan3A_213 = arith.constant 6 : i32
        %scan3A_214 = arith.addi %scan3A_138, %scan3A_213 : i32
        %mul3A_215 = arith.constant 16 : i32
        %mul3A_216 = arith.muli %scan3A_214, %mul3A_215 : i32
        %add3A_217 = arith.addi %mul3A_81, %mul3A_216 : i32
        %get3A_218 = arith.index_cast %add3A_217 : i32 to index
        %get3A_219 = tpu.vector_load %arg7[%get3A_218] {strides = array<i32>} : memref<4928xf32, #tpu.memory_space<vmem>>, vector<16xf32>,
        %get3A_220 = vector.shape_cast %get3A_219 : vector<16xf32> to vector<16xf32>
        %swap3A_221 = arith.index_cast %scan3A_214 : i32 to index
        %swap3A_222 = arith.constant 0 : index
        %swap3A_223 = tpu.vector_load %arg8[%swap3A_221, %swap3A_222] {strides = array<i32>} : memref<256x16xf32, #tpu.memory_space<vmem>>, vector<1x16xf32>,
        %swap3A_224 = vector.shape_cast %swap3A_223 : vector<1x16xf32> to vector<16xf32>
        %swap3A_225 = vector.shape_cast %get3A_220 : vector<16xf32> to vector<1x16xf32>
        tpu.vector_store %arg8[%swap3A_221, %swap3A_222], %swap3A_225 {add = true, strides = array<i32>} : memref<256x16xf32, #tpu.memory_space<vmem>>, vector<1x16xf32>,
        %scan3A_226 = arith.constant 7 : i32
        %scan3A_227 = arith.addi %scan3A_138, %scan3A_226 : i32
        %mul3A_228 = arith.constant 16 : i32
        %mul3A_229 = arith.muli %scan3A_227, %mul3A_228 : i32
        %add3A_230 = arith.addi %mul3A_81, %mul3A_229 : i32
        %get3A_231 = arith.index_cast %add3A_230 : i32 to index
        %get3A_232 = tpu.vector_load %arg7[%get3A_231] {strides = array<i32>} : memref<4928xf32, #tpu.memory_space<vmem>>, vector<16xf32>,
        %get3A_233 = vector.shape_cast %get3A_232 : vector<16xf32> to vector<16xf32>
        %swap3A_234 = arith.index_cast %scan3A_227 : i32 to index
        %swap3A_235 = arith.constant 0 : index
        %swap3A_236 = tpu.vector_load %arg8[%swap3A_234, %swap3A_235] {strides = array<i32>} : memref<256x16xf32, #tpu.memory_space<vmem>>, vector<1x16xf32>,
        %swap3A_237 = vector.shape_cast %swap3A_236 : vector<1x16xf32> to vector<16xf32>
        %swap3A_238 = vector.shape_cast %get3A_233 : vector<16xf32> to vector<1x16xf32>
        tpu.vector_store %arg8[%swap3A_234, %swap3A_235], %swap3A_238 {add = true, strides = array<i32>} : memref<256x16xf32, #tpu.memory_space<vmem>>, vector<1x16xf32>,
      }
      %scan3A_87 = arith.constant 256 : i32
      %mul3A_88 = arith.constant 26624 : i32
      %mul3A_89 = arith.muli %add3A, %mul3A_88 : i32
      %mul3A_90 = arith.constant 256 : i32
      %mul3A_91 = arith.muli %mul3A_27, %mul3A_90 : i32
      %add3A_92 = arith.addi %mul3A_89, %mul3A_91 : i32
      "tpu.region"() ({
        %run_scoped3A = tpu.sem_alloc : memref<!tpu.dma_semaphore, #tpu.memory_space<semaphore_mem>>
        %dma_start3A_138 = arith.constant 0 : i32
        %dma_start3A_139 = tpu.memref_slice %arg5[%add3A_92, %dma_start3A_138] : memref<851968x16xf32, #tpu.memory_space<hbm>> -> memref<256x16xf32, #tpu.memory_space<hbm>>
        %dma_start3A_140 = arith.constant 0 : i32
        %dma_start3A_141 = tpu.memref_slice %arg5[%add3A_92, %dma_start3A_140] : memref<851968x16xf32, #tpu.memory_space<hbm>> -> memref<256x16xf32, #tpu.memory_space<hbm>>
        tpu.enqueue_dma source(%arg8 : memref<256x16xf32, #tpu.memory_space<vmem>>) target(%dma_start3A_141 : memref<256x16xf32, #tpu.memory_space<hbm>>) target_semaphore(%run_scoped3A : memref<!tpu.dma_semaphore, #tpu.memory_space<semaphore_mem>>)
        %dma_wait3A_142 = arith.constant 0 : i32
        %dma_wait3A_143 = tpu.memref_slice %arg5[%add3A_92, %dma_wait3A_142] : memref<851968x16xf32, #tpu.memory_space<hbm>> -> memref<256x16xf32, #tpu.memory_space<hbm>>
        %dma_wait3A_144 = arith.constant 0 : i32
        %dma_wait3A_145 = tpu.memref_slice %arg5[%add3A_92, %dma_wait3A_144] : memref<851968x16xf32, #tpu.memory_space<hbm>> -> memref<256x16xf32, #tpu.memory_space<hbm>>
        tpu.wait_dma2 semaphore(%run_scoped3A : memref<!tpu.dma_semaphore, #tpu.memory_space<semaphore_mem>>) src(%arg8 : memref<256x16xf32, #tpu.memory_space<vmem>>) dst(%dma_wait3A_145 : memref<256x16xf32, #tpu.memory_space<hbm>>)
        tpu.yield
      }) : () -> ()
      %add3A_93 = arith.constant 1 : i32
      %add3A_94 = arith.addi %add3A_29, %add3A_93 : i32
      %lt3A = arith.constant 104 : i32
      %lt3A_95 = arith.cmpi slt, %add3A_94, %lt3A : i32
      %convert_element_type3A = arith.extui %lt3A_95 : i1 to i32
      %cond3A = arith.constant 0 : i32
      %cond3A_96 = arith.cmpi ne, %convert_element_type3A, %cond3A : i32
      scf.if %cond3A_96 {
        %add3A_138 = arith.constant 1 : i32
        %add3A_139 = arith.addi %add3A_29, %add3A_138 : i32
        %mul3A_140 = arith.constant 2 : i32
        %mul3A_141 = arith.muli %mul3A_140, %add3A_139 : i32
        %dma_start3A_142 = arith.constant 0 : i32
        %dma_start3A_143 = arith.constant 0 : i32
        %dma_start3A_144 = tpu.memref_slice %arg8[%dma_start3A_142, %dma_start3A_143] : memref<256x16xf32, #tpu.memory_space<vmem>> -> memref<128x16xf32, #tpu.memory_space<vmem>>
        %dma_start3A_145 = arith.constant 0 : i32
        %dma_start3A_146 = tpu.memref_slice %arg6[%mul3A_141, %dma_start3A_145] : memref<208x128xi32, #tpu.memory_space<vmem>> -> memref<1x128xi32, #tpu.memory_space<vmem>>
        %dma_start3A_147 = tpu.memref_squeeze %dma_start3A_146 : memref<1x128xi32, #tpu.memory_space<vmem>> -> memref<128xi32, #tpu.memory_space<vmem>>
        %dma_start3A_148 = arith.constant 0 : i32
        %dma_start3A_149 = arith.constant 0 : i32
        %dma_start3A_150 = tpu.memref_slice %arg3[%dma_start3A_148, %dma_start3A_149] : memref<5242880x16xf32, #tpu.memory_space<hbm>> -> memref<5242880x16xf32, #tpu.memory_space<hbm>>
        tpu.enqueue_indirect_dma source(%dma_start3A_150 : memref<5242880x16xf32, #tpu.memory_space<hbm>>) target(%dma_start3A_144 : memref<128x16xf32, #tpu.memory_space<vmem>>) offsets(%dma_start3A_147 : memref<128xi32, #tpu.memory_space<vmem>>) semaphore(%arg10 : memref<!tpu.dma_semaphore, #tpu.memory_space<semaphore_mem>>)
        %mul3A_151 = arith.constant 2 : i32
        %mul3A_152 = arith.muli %mul3A_151, %add3A_139 : i32
        %add3A_153 = arith.constant 1 : i32
        %add3A_154 = arith.addi %mul3A_152, %add3A_153 : i32
        %dma_start3A_155 = arith.constant 128 : i32
        %dma_start3A_156 = arith.constant 0 : i32
        %dma_start3A_157 = tpu.memref_slice %arg8[%dma_start3A_155, %dma_start3A_156] : memref<256x16xf32, #tpu.memory_space<vmem>> -> memref<128x16xf32, #tpu.memory_space<vmem>>
        %dma_start3A_158 = arith.constant 0 : i32
        %dma_start3A_159 = tpu.memref_slice %arg6[%add3A_154, %dma_start3A_158] : memref<208x128xi32, #tpu.memory_space<vmem>> -> memref<1x128xi32, #tpu.memory_space<vmem>>
        %dma_start3A_160 = tpu.memref_squeeze %dma_start3A_159 : memref<1x128xi32, #tpu.memory_space<vmem>> -> memref<128xi32, #tpu.memory_space<vmem>>
        %dma_start3A_161 = arith.constant 0 : i32
        %dma_start3A_162 = arith.constant 0 : i32
        %dma_start3A_163 = tpu.memref_slice %arg3[%dma_start3A_161, %dma_start3A_162] : memref<5242880x16xf32, #tpu.memory_space<hbm>> -> memref<5242880x16xf32, #tpu.memory_space<hbm>>
        tpu.enqueue_indirect_dma source(%dma_start3A_163 : memref<5242880x16xf32, #tpu.memory_space<hbm>>) target(%dma_start3A_157 : memref<128x16xf32, #tpu.memory_space<vmem>>) offsets(%dma_start3A_160 : memref<128xi32, #tpu.memory_space<vmem>>) semaphore(%arg10 : memref<!tpu.dma_semaphore, #tpu.memory_space<semaphore_mem>>)
      } else {
      }
      %mul3A_97 = arith.constant 2 : i32
      %mul3A_98 = arith.muli %mul3A_97, %add3A_29 : i32
      %dma_wait3A_99 = arith.constant 0 : i32
      %dma_wait3A_100 = arith.constant 0 : i32
      %dma_wait3A_101 = tpu.memref_slice %arg9[%dma_wait3A_99, %dma_wait3A_100] : memref<256x16xf32, #tpu.memory_space<vmem>> -> memref<128x16xf32, #tpu.memory_space<vmem>>
      %dma_wait3A_102 = arith.constant 0 : i32
      %dma_wait3A_103 = tpu.memref_slice %arg6[%mul3A_98, %dma_wait3A_102] : memref<208x128xi32, #tpu.memory_space<vmem>> -> memref<1x128xi32, #tpu.memory_space<vmem>>
      %dma_wait3A_104 = tpu.memref_squeeze %dma_wait3A_103 : memref<1x128xi32, #tpu.memory_space<vmem>> -> memref<128xi32, #tpu.memory_space<vmem>>
      %dma_wait3A_105 = arith.constant 0 : i32
      %dma_wait3A_106 = arith.constant 0 : i32
      %dma_wait3A_107 = tpu.memref_slice %arg3[%dma_wait3A_105, %dma_wait3A_106] : memref<5242880x16xf32, #tpu.memory_space<hbm>> -> memref<5242880x16xf32, #tpu.memory_space<hbm>>
      tpu.wait_indirect_dma semaphore(%arg11 : memref<!tpu.dma_semaphore, #tpu.memory_space<semaphore_mem>>) src(%dma_wait3A_107 : memref<5242880x16xf32, #tpu.memory_space<hbm>>) dst(%dma_wait3A_101 : memref<128x16xf32, #tpu.memory_space<vmem>>)
      %mul3A_108 = arith.constant 2 : i32
      %mul3A_109 = arith.muli %mul3A_108, %add3A_29 : i32
      %add3A_110 = arith.constant 1 : i32
      %add3A_111 = arith.addi %mul3A_109, %add3A_110 : i32
      %dma_wait3A_112 = arith.constant 128 : i32
      %dma_wait3A_113 = arith.constant 0 : i32
      %dma_wait3A_114 = tpu.memref_slice %arg9[%dma_wait3A_112, %dma_wait3A_113] : memref<256x16xf32, #tpu.memory_space<vmem>> -> memref<128x16xf32, #tpu.memory_space<vmem>>
      %dma_wait3A_115 = arith.constant 0 : i32
      %dma_wait3A_116 = tpu.memref_slice %arg6[%add3A_111, %dma_wait3A_115] : memref<208x128xi32, #tpu.memory_space<vmem>> -> memref<1x128xi32, #tpu.memory_space<vmem>>
      %dma_wait3A_117 = tpu.memref_squeeze %dma_wait3A_116 : memref<1x128xi32, #tpu.memory_space<vmem>> -> memref<128xi32, #tpu.memory_space<vmem>>
      %dma_wait3A_118 = arith.constant 0 : i32
      %dma_wait3A_119 = arith.constant 0 : i32
      %dma_wait3A_120 = tpu.memref_slice %arg3[%dma_wait3A_118, %dma_wait3A_119] : memref<5242880x16xf32, #tpu.memory_space<hbm>> -> memref<5242880x16xf32, #tpu.memory_space<hbm>>
      tpu.wait_indirect_dma semaphore(%arg11 : memref<!tpu.dma_semaphore, #tpu.memory_space<semaphore_mem>>) src(%dma_wait3A_120 : memref<5242880x16xf32, #tpu.memory_space<hbm>>) dst(%dma_wait3A_114 : memref<128x16xf32, #tpu.memory_space<vmem>>)
      %mul3A_121 = arith.constant 24 : i32
      %mul3A_122 = arith.muli %add3A_29, %mul3A_121 : i32
      %rem3A_123 = arith.constant 26 : i32
      %rem3A_124 = arith.remsi %mul3A_122, %rem3A_123 : i32
      %mul3A_125 = arith.constant 32 : i32
      %mul3A_126 = arith.muli %rem3A_124, %mul3A_125 : i32
      %scan3A_127 = arith.constant 0 : i32
      %scan3A_128 = arith.constant 0 : i32
      %scan3A_129 = arith.constant 256 : i32
      %scan3A_130 = arith.addi %scan3A_128, %scan3A_129 : i32
      %scan3A_131 = arith.constant 8 : i32
      scf.for %scan3A_138 = %scan3A_128 to %scan3A_130 step %scan3A_131  : i32 {
        %mul3A_139 = arith.constant 16 : i32
        %mul3A_140 = arith.muli %scan3A_138, %mul3A_139 : i32
        %add3A_141 = arith.addi %mul3A_126, %mul3A_140 : i32
        %get3A = arith.index_cast %add3A_141 : i32 to index
        %get3A_142 = tpu.vector_load %arg7[%get3A] {strides = array<i32>} : memref<4928xf32, #tpu.memory_space<vmem>>, vector<16xf32>,
        %get3A_143 = vector.shape_cast %get3A_142 : vector<16xf32> to vector<16xf32>
        %swap3A = arith.index_cast %scan3A_138 : i32 to index
        %swap3A_144 = arith.constant 0 : index
        %swap3A_145 = tpu.vector_load %arg9[%swap3A, %swap3A_144] {strides = array<i32>} : memref<256x16xf32, #tpu.memory_space<vmem>>, vector<1x16xf32>,
        %swap3A_146 = vector.shape_cast %swap3A_145 : vector<1x16xf32> to vector<16xf32>
        %swap3A_147 = vector.shape_cast %get3A_143 : vector<16xf32> to vector<1x16xf32>
        tpu.vector_store %arg9[%swap3A, %swap3A_144], %swap3A_147 {add = true, strides = array<i32>} : memref<256x16xf32, #tpu.memory_space<vmem>>, vector<1x16xf32>,
        %scan3A_148 = arith.constant 1 : i32
        %scan3A_149 = arith.addi %scan3A_138, %scan3A_148 : i32
        %mul3A_150 = arith.constant 16 : i32
        %mul3A_151 = arith.muli %scan3A_149, %mul3A_150 : i32
        %add3A_152 = arith.addi %mul3A_126, %mul3A_151 : i32
        %get3A_153 = arith.index_cast %add3A_152 : i32 to index
        %get3A_154 = tpu.vector_load %arg7[%get3A_153] {strides = array<i32>} : memref<4928xf32, #tpu.memory_space<vmem>>, vector<16xf32>,
        %get3A_155 = vector.shape_cast %get3A_154 : vector<16xf32> to vector<16xf32>
        %swap3A_156 = arith.index_cast %scan3A_149 : i32 to index
        %swap3A_157 = arith.constant 0 : index
        %swap3A_158 = tpu.vector_load %arg9[%swap3A_156, %swap3A_157] {strides = array<i32>} : memref<256x16xf32, #tpu.memory_space<vmem>>, vector<1x16xf32>,
        %swap3A_159 = vector.shape_cast %swap3A_158 : vector<1x16xf32> to vector<16xf32>
        %swap3A_160 = vector.shape_cast %get3A_155 : vector<16xf32> to vector<1x16xf32>
        tpu.vector_store %arg9[%swap3A_156, %swap3A_157], %swap3A_160 {add = true, strides = array<i32>} : memref<256x16xf32, #tpu.memory_space<vmem>>, vector<1x16xf32>,
        %scan3A_161 = arith.constant 2 : i32
        %scan3A_162 = arith.addi %scan3A_138, %scan3A_161 : i32
        %mul3A_163 = arith.constant 16 : i32
        %mul3A_164 = arith.muli %scan3A_162, %mul3A_163 : i32
        %add3A_165 = arith.addi %mul3A_126, %mul3A_164 : i32
        %get3A_166 = arith.index_cast %add3A_165 : i32 to index
        %get3A_167 = tpu.vector_load %arg7[%get3A_166] {strides = array<i32>} : memref<4928xf32, #tpu.memory_space<vmem>>, vector<16xf32>,
        %get3A_168 = vector.shape_cast %get3A_167 : vector<16xf32> to vector<16xf32>
        %swap3A_169 = arith.index_cast %scan3A_162 : i32 to index
        %swap3A_170 = arith.constant 0 : index
        %swap3A_171 = tpu.vector_load %arg9[%swap3A_169, %swap3A_170] {strides = array<i32>} : memref<256x16xf32, #tpu.memory_space<vmem>>, vector<1x16xf32>,
        %swap3A_172 = vector.shape_cast %swap3A_171 : vector<1x16xf32> to vector<16xf32>
        %swap3A_173 = vector.shape_cast %get3A_168 : vector<16xf32> to vector<1x16xf32>
        tpu.vector_store %arg9[%swap3A_169, %swap3A_170], %swap3A_173 {add = true, strides = array<i32>} : memref<256x16xf32, #tpu.memory_space<vmem>>, vector<1x16xf32>,
        %scan3A_174 = arith.constant 3 : i32
        %scan3A_175 = arith.addi %scan3A_138, %scan3A_174 : i32
        %mul3A_176 = arith.constant 16 : i32
        %mul3A_177 = arith.muli %scan3A_175, %mul3A_176 : i32
        %add3A_178 = arith.addi %mul3A_126, %mul3A_177 : i32
        %get3A_179 = arith.index_cast %add3A_178 : i32 to index
        %get3A_180 = tpu.vector_load %arg7[%get3A_179] {strides = array<i32>} : memref<4928xf32, #tpu.memory_space<vmem>>, vector<16xf32>,
        %get3A_181 = vector.shape_cast %get3A_180 : vector<16xf32> to vector<16xf32>
        %swap3A_182 = arith.index_cast %scan3A_175 : i32 to index
        %swap3A_183 = arith.constant 0 : index
        %swap3A_184 = tpu.vector_load %arg9[%swap3A_182, %swap3A_183] {strides = array<i32>} : memref<256x16xf32, #tpu.memory_space<vmem>>, vector<1x16xf32>,
        %swap3A_185 = vector.shape_cast %swap3A_184 : vector<1x16xf32> to vector<16xf32>
        %swap3A_186 = vector.shape_cast %get3A_181 : vector<16xf32> to vector<1x16xf32>
        tpu.vector_store %arg9[%swap3A_182, %swap3A_183], %swap3A_186 {add = true, strides = array<i32>} : memref<256x16xf32, #tpu.memory_space<vmem>>, vector<1x16xf32>,
        %scan3A_187 = arith.constant 4 : i32
        %scan3A_188 = arith.addi %scan3A_138, %scan3A_187 : i32
        %mul3A_189 = arith.constant 16 : i32
        %mul3A_190 = arith.muli %scan3A_188, %mul3A_189 : i32
        %add3A_191 = arith.addi %mul3A_126, %mul3A_190 : i32
        %get3A_192 = arith.index_cast %add3A_191 : i32 to index
        %get3A_193 = tpu.vector_load %arg7[%get3A_192] {strides = array<i32>} : memref<4928xf32, #tpu.memory_space<vmem>>, vector<16xf32>,
        %get3A_194 = vector.shape_cast %get3A_193 : vector<16xf32> to vector<16xf32>
        %swap3A_195 = arith.index_cast %scan3A_188 : i32 to index
        %swap3A_196 = arith.constant 0 : index
        %swap3A_197 = tpu.vector_load %arg9[%swap3A_195, %swap3A_196] {strides = array<i32>} : memref<256x16xf32, #tpu.memory_space<vmem>>, vector<1x16xf32>,
        %swap3A_198 = vector.shape_cast %swap3A_197 : vector<1x16xf32> to vector<16xf32>
        %swap3A_199 = vector.shape_cast %get3A_194 : vector<16xf32> to vector<1x16xf32>
        tpu.vector_store %arg9[%swap3A_195, %swap3A_196], %swap3A_199 {add = true, strides = array<i32>} : memref<256x16xf32, #tpu.memory_space<vmem>>, vector<1x16xf32>,
        %scan3A_200 = arith.constant 5 : i32
        %scan3A_201 = arith.addi %scan3A_138, %scan3A_200 : i32
        %mul3A_202 = arith.constant 16 : i32
        %mul3A_203 = arith.muli %scan3A_201, %mul3A_202 : i32
        %add3A_204 = arith.addi %mul3A_126, %mul3A_203 : i32
        %get3A_205 = arith.index_cast %add3A_204 : i32 to index
        %get3A_206 = tpu.vector_load %arg7[%get3A_205] {strides = array<i32>} : memref<4928xf32, #tpu.memory_space<vmem>>, vector<16xf32>,
        %get3A_207 = vector.shape_cast %get3A_206 : vector<16xf32> to vector<16xf32>
        %swap3A_208 = arith.index_cast %scan3A_201 : i32 to index
        %swap3A_209 = arith.constant 0 : index
        %swap3A_210 = tpu.vector_load %arg9[%swap3A_208, %swap3A_209] {strides = array<i32>} : memref<256x16xf32, #tpu.memory_space<vmem>>, vector<1x16xf32>,
        %swap3A_211 = vector.shape_cast %swap3A_210 : vector<1x16xf32> to vector<16xf32>
        %swap3A_212 = vector.shape_cast %get3A_207 : vector<16xf32> to vector<1x16xf32>
        tpu.vector_store %arg9[%swap3A_208, %swap3A_209], %swap3A_212 {add = true, strides = array<i32>} : memref<256x16xf32, #tpu.memory_space<vmem>>, vector<1x16xf32>,
        %scan3A_213 = arith.constant 6 : i32
        %scan3A_214 = arith.addi %scan3A_138, %scan3A_213 : i32
        %mul3A_215 = arith.constant 16 : i32
        %mul3A_216 = arith.muli %scan3A_214, %mul3A_215 : i32
        %add3A_217 = arith.addi %mul3A_126, %mul3A_216 : i32
        %get3A_218 = arith.index_cast %add3A_217 : i32 to index
        %get3A_219 = tpu.vector_load %arg7[%get3A_218] {strides = array<i32>} : memref<4928xf32, #tpu.memory_space<vmem>>, vector<16xf32>,
        %get3A_220 = vector.shape_cast %get3A_219 : vector<16xf32> to vector<16xf32>
        %swap3A_221 = arith.index_cast %scan3A_214 : i32 to index
        %swap3A_222 = arith.constant 0 : index
        %swap3A_223 = tpu.vector_load %arg9[%swap3A_221, %swap3A_222] {strides = array<i32>} : memref<256x16xf32, #tpu.memory_space<vmem>>, vector<1x16xf32>,
        %swap3A_224 = vector.shape_cast %swap3A_223 : vector<1x16xf32> to vector<16xf32>
        %swap3A_225 = vector.shape_cast %get3A_220 : vector<16xf32> to vector<1x16xf32>
        tpu.vector_store %arg9[%swap3A_221, %swap3A_222], %swap3A_225 {add = true, strides = array<i32>} : memref<256x16xf32, #tpu.memory_space<vmem>>, vector<1x16xf32>,
        %scan3A_226 = arith.constant 7 : i32
        %scan3A_227 = arith.addi %scan3A_138, %scan3A_226 : i32
        %mul3A_228 = arith.constant 16 : i32
        %mul3A_229 = arith.muli %scan3A_227, %mul3A_228 : i32
        %add3A_230 = arith.addi %mul3A_126, %mul3A_229 : i32
        %get3A_231 = arith.index_cast %add3A_230 : i32 to index
        %get3A_232 = tpu.vector_load %arg7[%get3A_231] {strides = array<i32>} : memref<4928xf32, #tpu.memory_space<vmem>>, vector<16xf32>,
        %get3A_233 = vector.shape_cast %get3A_232 : vector<16xf32> to vector<16xf32>
        %swap3A_234 = arith.index_cast %scan3A_227 : i32 to index
        %swap3A_235 = arith.constant 0 : index
        %swap3A_236 = tpu.vector_load %arg9[%swap3A_234, %swap3A_235] {strides = array<i32>} : memref<256x16xf32, #tpu.memory_space<vmem>>, vector<1x16xf32>,
        %swap3A_237 = vector.shape_cast %swap3A_236 : vector<1x16xf32> to vector<16xf32>
        %swap3A_238 = vector.shape_cast %get3A_233 : vector<16xf32> to vector<1x16xf32>
        tpu.vector_store %arg9[%swap3A_234, %swap3A_235], %swap3A_238 {add = true, strides = array<i32>} : memref<256x16xf32, #tpu.memory_space<vmem>>, vector<1x16xf32>,
      }
      %scan3A_132 = arith.constant 256 : i32
      %mul3A_133 = arith.constant 26624 : i32
      %mul3A_134 = arith.muli %add3A, %mul3A_133 : i32
      %mul3A_135 = arith.constant 256 : i32
      %mul3A_136 = arith.muli %add3A_29, %mul3A_135 : i32
      %add3A_137 = arith.addi %mul3A_134, %mul3A_136 : i32
      "tpu.region"() ({
        %run_scoped3A = tpu.sem_alloc : memref<!tpu.dma_semaphore, #tpu.memory_space<semaphore_mem>>
        %dma_start3A_138 = arith.constant 0 : i32
        %dma_start3A_139 = tpu.memref_slice %arg5[%add3A_137, %dma_start3A_138] : memref<851968x16xf32, #tpu.memory_space<hbm>> -> memref<256x16xf32, #tpu.memory_space<hbm>>
        %dma_start3A_140 = arith.constant 0 : i32
        %dma_start3A_141 = tpu.memref_slice %arg5[%add3A_137, %dma_start3A_140] : memref<851968x16xf32, #tpu.memory_space<hbm>> -> memref<256x16xf32, #tpu.memory_space<hbm>>
        tpu.enqueue_dma source(%arg9 : memref<256x16xf32, #tpu.memory_space<vmem>>) target(%dma_start3A_141 : memref<256x16xf32, #tpu.memory_space<hbm>>) target_semaphore(%run_scoped3A : memref<!tpu.dma_semaphore, #tpu.memory_space<semaphore_mem>>)
        %dma_wait3A_142 = arith.constant 0 : i32
        %dma_wait3A_143 = tpu.memref_slice %arg5[%add3A_137, %dma_wait3A_142] : memref<851968x16xf32, #tpu.memory_space<hbm>> -> memref<256x16xf32, #tpu.memory_space<hbm>>
        %dma_wait3A_144 = arith.constant 0 : i32
        %dma_wait3A_145 = tpu.memref_slice %arg5[%add3A_137, %dma_wait3A_144] : memref<851968x16xf32, #tpu.memory_space<hbm>> -> memref<256x16xf32, #tpu.memory_space<hbm>>
        tpu.wait_dma2 semaphore(%run_scoped3A : memref<!tpu.dma_semaphore, #tpu.memory_space<semaphore_mem>>) src(%arg9 : memref<256x16xf32, #tpu.memory_space<vmem>>) dst(%dma_wait3A_145 : memref<256x16xf32, #tpu.memory_space<hbm>>)
        tpu.yield
      }) : () -> ()
    }
    %scan3A_24 = arith.constant 52 : i32
    return
  }
}

module attributes {stable_mosaic.version = 14 : i64} {
  func.func @body(%arg0: i32, %arg1: memref<32x32768xf32, #tpu.memory_space<vmem>>, %arg2: memref<8192x128xf32, #tpu.memory_space<vmem>>) attributes {dimension_semantics = [#tpu.dimension_semantics<arbitrary>], iteration_bounds = array<i64: 80>, scalar_prefetch = 0 : i64, scratch_operands = 0 : i64, tpu.core_type = #tpu.core_type<tc>, window_params = [{transform_indices = @transform_0, window_bounds = array<i64: 32, 32768>}, {transform_indices = @transform_1, window_bounds = array<i64: 8192, 128>}]} {
    %get3A = arith.constant 0 : index
    %get3A_0 = arith.constant 0 : index
    %get3A_1 = vector.load %arg1[%get3A, %get3A_0] : memref<32x32768xf32, #tpu.memory_space<vmem>>, vector<32x32768xf32>
    %slice3A = vector.extract_strided_slice %get3A_1 {offsets = [0, 0], sizes = [32, 8192], strides = [1, 1]} : vector<32x32768xf32> to vector<32x8192xf32>
    %slice3A_2 = vector.extract_strided_slice %get3A_1 {offsets = [0, 8192], sizes = [32, 8192], strides = [1, 1]} : vector<32x32768xf32> to vector<32x8192xf32>
    %slice3A_3 = vector.extract_strided_slice %get3A_1 {offsets = [0, 16384], sizes = [32, 8192], strides = [1, 1]} : vector<32x32768xf32> to vector<32x8192xf32>
    %slice3A_4 = vector.extract_strided_slice %get3A_1 {offsets = [0, 24576], sizes = [32, 8192], strides = [1, 1]} : vector<32x32768xf32> to vector<32x8192xf32>
    %concatenate3A = tpu.concatenate %slice3A, %slice3A_2, %slice3A_3, %slice3A_4 in 0 : vector<32x8192xf32>, vector<32x8192xf32>, vector<32x8192xf32>, vector<32x8192xf32> -> vector<128x8192xf32>
    %iota3A = tpu.iota {dimensions = array<i32: 0>} : vector<128x128xi32>
    %iota3A_5 = tpu.iota {dimensions = array<i32: 1>} : vector<128x128xi32>
    %eq3A = arith.cmpi eq, %iota3A, %iota3A_5 : vector<128x128xi32>
    %convert_element_type3A = arith.extui %eq3A : vector<128x128xi1> to vector<128x128xi32>
    %convert_element_type3A_6 = arith.sitofp %convert_element_type3A : vector<128x128xi32> to vector<128x128xf32>
    %dot_general3A = arith.constant dense<0.000000e+00> : vector<8192x128xf32>
    %dot_general3A_7 = tpu.matmul %concatenate3A, %convert_element_type3A_6, %dot_general3A {dimension_numbers = #tpu.dot_dimension_numbers<[0], [0], [1], [1], [0, 1, 1, 1], [], []>, transpose_lhs_hint = false} : vector<128x8192xf32>, vector<128x128xf32>, vector<8192x128xf32> -> vector<8192x128xf32>
    %swap3A = arith.constant 0 : index
    %swap3A_8 = arith.constant 0 : index
    %swap3A_9 = vector.load %arg2[%swap3A, %swap3A_8] : memref<8192x128xf32, #tpu.memory_space<vmem>>, vector<8192x128xf32>
    tpu.vector_store %arg2[%swap3A, %swap3A_8], %dot_general3A_7 {strides = array<i32>} : memref<8192x128xf32, #tpu.memory_space<vmem>>, vector<8192x128xf32>,
    return
  }
  func.func @transform_0(%arg0: i32) -> (i32, i32) {
    %c0_i32 = arith.constant 0 : i32
    %c0_i32_0 = arith.constant 0 : i32
    return %c0_i32, %arg0 : i32, i32
  }
  func.func @transform_1(%arg0: i32) -> (i32, i32) {
    %c0_i32 = arith.constant 0 : i32
    %c0_i32_0 = arith.constant 0 : i32
    return %arg0, %c0_i32 : i32, i32
  }
}

</mosaic_0001>

<sc_bundles>
// kernel: kernel.4.cloned.1.call-start
scs
__scs_entry_jumppad:
0x0: {  	(pc) =	sbr.rel $0x88, $3  }
0x1: {  	(tag) =	ssettag $0x0;
	lr =	simm.s32 $0x1  }
0x2: {  	[smem:$0x3F9E] =	sst lr;
	_ =	strace $0xD0000000  }
0x3: {  	_ = 	snop  }
0x4: {  	_ = 	snop  }
0x5: {  	_ = 	snop  }
0x6: {  	_ = 	snop  }
0x7: {  	_ = 	snop  }
__scs_overlays_trampoline_lowered:
0x8: {  	[smem:$0x3FAD] =	sst s0  }
0x9: {  	[smem:$0x3FAE] =	sst s1  }
0xa: {  	[smem:$0x3FAF] =	sst s2  }
0xb: {  	[smem:$0x3FB0] =	sst s3  }
0xc: {  	[smem:$0x3FB1] =	sst s4  }
0xd: {  	[smem:$0x3FB2] =	sst s5  }
0xe: {  	[smem:$0x3FB3] =	sst s6  }
0xf: {  	[smem:$0x3FB4] =	sst s7  }
0x10: {  	[smem:$0x3FB5] =	sst s8  }
0x11: {  	[smem:$0x3FB6] =	sst s9;
	s0 =	simm.s32 @!p0 $0x0  }
0x12: {  	s1 =	sld [smem:$0x3F9C];
	s0 =	simm.s32 @p0 $0x1  }
0x13: {  	[smem:$0x3FB7] =	sst s0;
	s0 =	simm.s32 @!p1 $0x0  }
0x14: {  	s2 =	sld [smem:$0x3F9B];
	s0 =	simm.s32 @p1 $0x1  }
0x15: {  	[smem:$0x3FB8] =	sst s0;
	s0 =	simm.s32 @!p2 $0x0  }
0x16: {  	s3 =	sld [smem:$0x3FDB];
	s0 =	simm.s32 @p2 $0x1  }
0x17: {  	s4 =	simm.s32 $0x1BF5;
	[smem:$0x3FBA] =	sst s0  }
0x18: {  	s0 =	sld [smem:$0x3F9D];
	_ =	swait.ge [sflag:s4], $0x0  }
0x19: {  	s7 =	sld [smem:$0x3F9E]  }
0x1a: {  	s8 =	sadd.s32 $0xFFFFE003, lr  }
0x1b: {  	s9 =	sadd.s32 $0xFFFFFEF7, lr;
	s5 =	simm.s32 $0xFFFFFFFF;
	p2 =	slt.u32 s8, $0xFFFFF086  }
0x1c: {  	p1 =	slt.u32 s9, $0xF7A;
	s5 =	simm.s32 @!p2 $0x0  }
0x1d: {  	s5 =	simm.s32 @p1 $0x1;
	p0 =	seq.s32 s7, s2  }
0x1e: {  	s7 =	smul.u32 @!p0 $0xF7A, s2;
	p2 =	seq.s32 @!p0 s5, $0x0  }
0x1f: {  	s9 =	smul.u32 $0xF7A, s1;
	s8 =	simm.s32 @!p0 $0x1BF5;
	p2 =	por !p2, p0  }
0x20: {  	[sflag:s8] =	ssyncset.s32 @!p0 $0xFFFFF086;
	s6 =	sadd.s32 @!p0 s3, s7;
	s7 =	simm.s32 @!p0 $0x108  }
0x21: {  	s3 =	sadd.s32 s3, s9;
	s6 =	sadd.s32 @!p0 $0x88, s6;
	s7 =	simm.s32 @p2 $0x1082  }
0x22: {  	[simem:s7], [sflag:s8] =	dma.local @!p0 [hbm:s6], $0xF7A  }
0x23: {  	s9 =	sor.u32 $0xD0000000, s2;
	s6 =	simm.s32 $0x108;
	_ =	swait.ge @!p0 [sflag:s8], $0x0  }
0x24: {  	s3 =	sadd.s32 $0x88, s3;
	s6 =	simm.s32 @!p1 $0x1082;
	[sflag:s4] =	ssyncset.s32 $0xFFFFF086  }
0x25: {  	[simem:s6], [sflag:s4] =	dma.local [hbm:s3], $0xF7A  }
0x26: {  	[smem:$0x3F9E] =	sst s1;
	(tag) =	ssettag s2;
	_ =	strace s9  }
0x27: {  	s1 =	sld [smem:$0x3FAE]  }
0x28: {  	s2 =	sld [smem:$0x3FAF]  }
0x29: {  	s4 =	sld [smem:$0x3FB1]  }
0x2a: {  	p0 =	seq.s32 s5, $0x0;
	s5 =	sld [smem:$0x3FB2]  }
0x2b: {  	s6 =	sld [smem:$0x3FB3]  }
0x2c: {  	s7 =	sld [smem:$0x3FB4]  }
0x2d: {  	s3 =	simm.s32 $0x108;
	s8 =	sld [smem:$0x3FB5]  }
0x2e: {  	s3 =	simm.s32 @!p0 $0x1082;
	s9 =	sld [smem:$0x3FB6]  }
0x2f: {  	lr =	sadd.s32 s0, s3;
	s0 =	sld [smem:$0x3FAD]  }
0x30: {  	s3 =	sld [smem:$0x3FB0]  }
0x31: {  	[smem:$0x3FB9] =	sst s10  }
0x32: {  	s10 =	sld [smem:$0x3FB7];
	_ =	sdelay $0x3  }
0x33: {  	p0 =	seq.s32 s10, $0x1;
	s10 =	sld [smem:$0x3FB9];
	_ =	sdelay $0x3  }
0x34: {  	[smem:$0x3FB9] =	sst s10  }
0x35: {  	s10 =	sld [smem:$0x3FB8];
	_ =	sdelay $0x3  }
0x36: {  	p1 =	seq.s32 s10, $0x1;
	s10 =	sld [smem:$0x3FB9];
	_ =	sdelay $0x3  }
0x37: {  	[smem:$0x3FB9] =	sst s10  }
0x38: {  	s10 =	sld [smem:$0x3FBA]  }
0x39: {  	_ = 	snop;
	(pc) =	sbr.ind lr, $3  }
0x3a: {  	_ = 	snop  }
0x3b: {  	_ = 	snop  }
0x3c: {  	p2 =	seq.s32 s10, $0x1;
	s10 =	sld [smem:$0x3FB9]  }
0x3d: {  	_ =	shalt  }
0x3e: {  	_ =	shalt  }
0x3f: {  	_ =	shalt  }
0x40: {  	_ =	shalt  }
0x41: {  	_ =	shalt  }
0x42: {  	_ =	shalt  }
0x43: {  	_ =	shalt  }
0x44: {  	_ =	shalt  }
0x45: {  	_ =	shalt  }
0x46: {  	_ =	shalt  }
0x47: {  	_ =	shalt  }
0x48: {  	_ =	shalt  }
0x49: {  	_ =	shalt  }
0x4a: {  	_ =	shalt  }
0x4b: {  	_ =	shalt  }
0x4c: {  	_ =	shalt  }
0x4d: {  	_ =	shalt  }
0x4e: {  	_ =	shalt  }
0x4f: {  	_ =	shalt  }
0x50: {  	_ =	shalt  }
0x51: {  	_ =	shalt  }
0x52: {  	_ =	shalt  }
0x53: {  	_ =	shalt  }
0x54: {  	_ =	shalt  }
0x55: {  	_ =	shalt  }
0x56: {  	_ =	shalt  }
0x57: {  	_ =	shalt  }
0x58: {  	_ =	shalt  }
0x59: {  	_ =	shalt  }
0x5a: {  	_ =	shalt  }
0x5b: {  	_ =	shalt  }
0x5c: {  	_ =	shalt  }
0x5d: {  	_ =	shalt  }
0x5e: {  	_ =	shalt  }
0x5f: {  	_ =	shalt  }
0x60: {  	_ =	shalt  }
0x61: {  	_ =	shalt  }
0x62: {  	_ =	shalt  }
0x63: {  	_ =	shalt  }
0x64: {  	_ =	shalt  }
0x65: {  	_ =	shalt  }
0x66: {  	_ =	shalt  }
0x67: {  	_ =	shalt  }
0x68: {  	_ =	shalt  }
0x69: {  	_ =	shalt  }
0x6a: {  	_ =	shalt  }
0x6b: {  	_ =	shalt  }
0x6c: {  	_ =	shalt  }
0x6d: {  	_ =	shalt  }
0x6e: {  	_ =	shalt  }
0x6f: {  	_ =	shalt  }
0x70: {  	_ =	shalt  }
0x71: {  	_ =	shalt  }
0x72: {  	_ =	shalt  }
0x73: {  	_ =	shalt  }
0x74: {  	_ =	shalt  }
0x75: {  	_ =	shalt  }
0x76: {  	_ =	shalt  }
0x77: {  	_ =	shalt  }
0x78: {  	_ =	shalt  }
0x79: {  	_ =	shalt  }
0x7a: {  	_ =	shalt  }
0x7b: {  	_ =	shalt  }
0x7c: {  	_ =	shalt  }
0x7d: {  	_ =	shalt  }
0x7e: {  	_ =	shalt  }
0x7f: {  	_ =	shalt  }
0x80: {  	_ =	shalt  }
0x81: {  	_ =	shalt  }
0x82: {  	_ =	shalt  }
0x83: {  	_ =	shalt  }
0x84: {  	_ =	shalt  }
0x85: {  	_ =	shalt  }
0x86: {  	_ =	shalt  }
0x87: {  	_ =	shalt  }
.Lfunc_end0:
.L_simem_size_0:
called_computation.1_lowered:
.L_overlay_start_0:
0x88: {  	s2 =	sld [smem:$0x3FD9]  }
0x89: {  	s3 =	sld [smem:$0x3FFE];
	_ =	sdelay $0x1  }
0x8a: {  	s1 =	srdreg.scid  }
0x8b: {  	s0 =	sand.u32 $0x1, s1  }
0x8c: {  	s17 =	sshll.u32 s0, $0xA;
	s2 =	sadd.s32 s3, s2  }
0x8d: {  	s2 =	sadd.s32 s2, s17  }
0x8e: {  	[smem:$0x3FC5] =	sst s2  }
0x8f: {  	_ = 	snop  }
0x90: {  	s2 =	sld [smem:$0x3FD0];
	(tm) =	ssettm $0x1  }
0x91: {  	s18 =	sld [smem:$0x3FFB];
	_ =	sdelay $0x3  }
0x92: {  	_ =	strace s18  }
0x93: {  	s3 =	sld [smem:$0x3FFC];
	_ =	sdelay $0x3  }
0x94: {  	_ =	strace s3  }
0x95: {  	s3 =	sld [smem:$0x3FFD];
	_ =	sdelay $0x3  }
0x96: {  	_ =	strace s3  }
0x97: {  	_ =	strace $0x8FFFFFFF  }
0x98: {  	s19 =	sld [smem:$0x3FDB];
	_ =	sdelay $0x1  }
0x99: {  	s4 =	simm.s32 $_scs_section_size  }
0x9a: {  	s5 =	simm.s32 $_size__tile_overlayer_lowered;
	s6 =	simm.s32 $_tile_overlayer_lowered  }
0x9b: {  	s22 =	simm.s32 $0x1BFF;
	s21 =	sshll.u32 s6, $0x1;
	s3 =	sadd.s32 s4, s19  }
0x9c: {  	s7 =	simm.s32 $0x0;
	s20 =	sshll.u32 s5, $0x1;
	s5 =	sadd.s32 s21, s3  }
0x9d: {  	[timem:s7], [sflag:s22] =	dma.local [hbm:s5], s20  }
0x9e: {  	_ =	swait.ge [sflag:s22], s20  }
0x9f: {  	s4 =	ssub.s32 $0x0, s20;
	[sflag:s22] =	ssyncset.done $0x0  }
0xa0: {  	[sflag:s22] =	ssyncadd.s32 s4;
	_ =	sdelay $0x1  }
0xa1: {  	s23 =	simm.s32 $0x1B8B  }
0xa2: {  	_ =	swait.ge [sflag:s23], $0x1  }
0xa3: {  	[sflag:s23] =	ssyncset.done $0x0  }
0xa4: {  	s25 =	simm.s32 $0x1B8E;
	s24 =	sld [smem:$0x3FFE];
	[sflag:s23] =	ssyncadd.s32 $0xFFFFFFFF  }
0xa5: {  	s26 =	simm.s32 $execute0_lowered;
	[smem:$0x3FD2] =	sst s25  }
0xa6: {  	s5 =	sshll.u32 s26, $0x1;
	_ =	strace $0x80000046;
	[dreg:$0x1] =	wrdreg $0xFFFFFFFF  }
0xa7: {  	s28 =	simm.s32 $_size_execute0_lowered;
	s3 =	sadd.s32 s3, s5;
	[dreg:$0x0] =	wrdreg $0x0  }
0xa8: {  	s5 =	sshll.u32 s28, $0x1;
	[dreg:$0x2] =	wrdreg s3  }
0xa9: {  	[dreg:$0x3] =	wrdreg s5  }
0xaa: {  	[dreg:$0x4] =	wrdreg $0xC0  }
0xab: {  	_ =	task [dreg:s7], $0x5FFFF  }
0xac: {  	[dreg:$0x1] =	wrdreg $0xFFFFFFFF  }
0xad: {  	[dreg:$0x0] =	wrdreg $0x60  }
0xae: {  	[dreg:$0x2] =	wrdreg s24  }
0xaf: {  	[dreg:$0x3] =	wrdreg s2  }
0xb0: {  	[dreg:$0x4] =	wrdreg $0x9  }
0xb1: {  	_ =	task.clear_ibuf [dreg:s7], $0x5FFFF;
	_ =	strace $0x90000046  }
0xb2: {  	s29 =	simm.s32 $0x9;
	_ =	strace $0x80000048  }
0xb3: {  	_ =	swait.ge [sflag:s29], $0x1  }
0xb4: {  	[sflag:s29] =	ssyncadd.s32 $0xFFFFFFFF  }
0xb5: {  	_ =	strace $0x90000048  }
0xb6: {  	_ =	sfence  }
0xb7: {  	s30 =	sld [smem:$0x0];
	_ =	sdelay $0x2  }
0xb8: {  	s31 =	sshll.u32 s1, $0xD;
	s1 =	sshrl.u32 s1, $0x2  }
0xb9: {  	s3 =	sand.u32 $0x4000, s31;
	s1 =	sadd.s32 s1, s30  }
0xba: {  	s0 =	sor.u32 s3, s0;
	s1 =	sshll.u32 s1, $0x11  }
0xbb: {  	s0 =	sor.u32 s1, s0  }
0xbc: {  	s0 =	sadd.s32 $0x8F2B, s0  }
0xbd: {  	[sflag:s0] =	ssyncadd.remote.s32 $0x1  }
0xbe: {  	_ =	sfence.sel $0xFFFF  }
0xbf: {  	[dreg:$0x0] =	wrdreg $0xFFFFFFFF;
	(pc) =	sbr.abs _section_cstart, $3  }
0xc0: {  	[dreg:$0x1] =	wrdreg $0xFFFFFFFF  }
0xc1: {  	_ =	task.clear_ibuf [dreg:s7], $0x2FFFF;
	_ =	strace $0x9FFFFFFF  }
0xc2: {  	(tm) =	ssettm $0x7FFFFFFF  }
0xc3: {  	_ =	shalt  }
tec
execute0_lowered:
.L_overlay_start_1:
0x0: {  	(tag) =	ssettag $0x1  }
0x1: {  	s1 =	srdreg.scid  }
0x2: {  	s0 =	stileid.u32;
	s5 =	rddreg [dreg:$0x0]  }
0x3: {  	s2 =	rddreg [dreg:$0x1];
	s3 =	simm.s32 $0x0;
	s10 =	simm.s32 $0x80  }
0x4: {  	s11 =	simm.s32 $0x7B40;
	s12 =	simm.s32 $0x8340;
	s13 =	simm.s32 $0x8B40  }
0x5: {  	s14 =	simm.s32 $0x9340;
	s15 =	simm.s32 $0x1;
	s16 =	simm.s32 $0x2  }
0x6: {  	s4 =	sand.u32 $0x1, s1;
	s31 =	sshll.u32 s0, $0x1;
	s1 =	rddreg [dreg:$0x2]  }
0x7: {  	s17 =	simm.s32 $0x0;
	[smem:$0x7FF] =	sst s3;
	s7 =	sor.u32 s4, s31  }
0x8: {  	s8 =	ssub.s32 $0x2, s4;
	_ =	strace $0x80000047;
	s6 =	smul.u32 $0xD00, s7  }
0x9: {  	s4 =	sadd.s32 $0xE00, s5;
	s9 =	sshrl.u32 s8, $0x1;
	s7 =	smul.u32 $0x68000, s7  }
0xa: {  	s8 =	ssub.s32 s8, s9;
	s9 =	simm.s32 $0x3;
	s6 =	sadd.s32 s6, s5  }
0xb: {  	s5 =	sadd.s32 $0xA00, s5;
	s8 =	smax.u32 s8, $0x1;
	s6 =	sadd.s32 $0xA00E00, s6  }
.LBB2_1:
0xc: {  	[tilespmem:s3], [sflag:$0x3] =	stream.linear.gather [hbm4b:s6+s3], $0x6800, $0x38;
	[tilespmem:$0x9B40] =	vst v63  }
0xd: {  	_ =	swait.ge [sflag:s9], $0x6800  }
0xe: {  	[sflag:s9] =	ssyncset.done $0x0  }
0xf: {  	s18 =	simm.s32 $0x6800;
	[sflag:s9] =	ssyncadd.s32 $0xFFFF9800  }
0x10: {  	[tilespmem:s18], [sflag:$0x3] =	stream.linear.gather [hbm4b:s5+s3], $0x1340, $0x38;
	[tilespmem:$0x9B40] =	vst v63  }
0x11: {  	_ =	swait.ge [sflag:s9], $0x1340  }
0x12: {  	[sflag:s9] =	ssyncset.done $0x0  }
0x13: {  	s19 =	simm.s32 $0x18;
	[sflag:s9] =	ssyncadd.s32 $0xFFFFECC0  }
0x14: {  	[tilespmem:s11], [sflag:$0x1] =	stream.indirect.gather [hbm4b:s4+s10], $0x10, s3, s10, $0xb8;
	[tilespmem:$0x9B40] =	vst v63  }
0x15: {  	s20 =	simm.s32 $0x0;
	s21 =	simm.s32 $0x0;
	s22 =	simm.s32 $0x0  }
0x16: {  	[tilespmem:s12], [sflag:$0x1] =	stream.indirect.gather [hbm4b:s4+s10], $0x10, s10, s10, $0xb8;
	[tilespmem:$0x9B40] =	vst v63  }
.LBB2_2:
0x17: {  	s23 =	sand.u32 $0xFFFF, s20  }
0x18: {  	s23 =	smul.u32 $0x4EC5, s23;
	_ =	sdelay $0x1  }
0x19: {  	s23 =	sshrl.u32 s23, $0x13  }
0x1a: {  	s24 =	smul.u32 $0x340, s23;
	s23 =	sshllo.u32 s22, $0x1  }
0x1b: {  	s25 =	sshll.u32 s23, $0x8  }
0x1c: {  	s24 =	ssub.s32 s21, s24;
	s25 =	sand.u32 $0x3FFFFF00, s25  }
0x1d: {  	[tilespmem:s13], [sflag:$0x2] =	stream.indirect.gather [hbm4b:s4+s10], $0x10, s25, s10, $0xb8;
	[tilespmem:$0x9B40] =	vst v63  }
0x1e: {  	s24 =	sand.u32 $0xFFFF, s24;
	s25 =	sor.u32 $0x80, s25  }
0x1f: {  	[tilespmem:s14], [sflag:$0x2] =	stream.indirect.gather [hbm4b:s4+s10], $0x10, s25, s10, $0xb8;
	[tilespmem:$0x9B40] =	vst v63  }
0x20: {  	s24 =	sadd.s32 $0x6840, s24;
	_ =	swait.ge [sflag:s15], $0x800  }
0x21: {  	v0 =	vmov s24;
	[sflag:s15] =	ssyncset.done $0x0  }
0x22: {  	[sflag:s15] =	ssyncadd.s32 $0xFFFFF800  }
0x23: {  	_ =	swait.ge [sflag:s15], $0x800  }
0x24: {  	[sflag:s15] =	ssyncset.done $0x0  }
0x25: {  	s25 =	simm.s32 $0x0;
	[sflag:s15] =	ssyncadd.s32 $0xFFFFF800  }
0x26: {  	v1 =	vld.idx.msk [tilespmem:v0+s25+$0xFFFFFFC0 ss:$0x1], $0xffff;
	_ =	sdelay $0x4  }
0x27: {  	[tilespmem:s25+$0x7B40] =	vst.add.f32.msk $0xffff, v1  }
0x28: {  	v1 =	vld.idx.msk [tilespmem:v0+s25+$0xFFFFFFD0 ss:$0x1], $0xffff;
	_ =	sdelay $0x4  }
0x29: {  	[tilespmem:s25+$0x7B50] =	vst.add.f32.msk $0xffff, v1  }
0x2a: {  	v1 =	vld.idx.msk [tilespmem:v0+s25+$0xFFFFFFE0 ss:$0x1], $0xffff;
	_ =	sdelay $0x4  }
0x2b: {  	[tilespmem:s25+$0x7B60] =	vst.add.f32.msk $0xffff, v1  }
0x2c: {  	v1 =	vld.idx.msk [tilespmem:v0+s25+$0xFFFFFFF0 ss:$0x1], $0xffff;
	_ =	sdelay $0x4  }
0x2d: {  	[tilespmem:s25+$0x7B70] =	vst.add.f32.msk $0xffff, v1  }
0x2e: {  	v1 =	vld.idx.msk [tilespmem:v0+s25+$0x0 ss:$0x1], $0xffff;
	_ =	sdelay $0x4  }
0x2f: {  	[tilespmem:s25+$0x7B80] =	vst.add.f32.msk $0xffff, v1  }
0x30: {  	v1 =	vld.idx.msk [tilespmem:v0+s25+$0x10 ss:$0x1], $0xffff;
	_ =	sdelay $0x4  }
0x31: {  	[tilespmem:s25+$0x7B90] =	vst.add.f32.msk $0xffff, v1  }
0x32: {  	v1 =	vld.idx.msk [tilespmem:v0+s25+$0x20 ss:$0x1], $0xffff;
	_ =	sdelay $0x3  }
0x33: {  	s31 =	smulhi.u32 $0x4EC4EC4F, s19  }
0x34: {  	[tilespmem:s25+$0x7BA0] =	vst.add.f32.msk $0xffff, v1  }
0x35: {  	s24 =	sshrl.u32 s31, $0x3;
	v1 =	vld.idx.msk [tilespmem:v0+s25+$0x30 ss:$0x1], $0xffff  }
0x36: {  	s24 =	smul.u32 $0xFFFFF300, s24;
	_ =	sdelay $0x1  }
0x37: {  	s24 =	sshra.s32 s24, $0x2  }
0x38: {  	s26 =	simm.s32 $0x0;
	s28 =	simm.s32 $0x200;
	s24 =	sadd.s32 s24, s18  }
.LBB2_3:
0x39: {  	s26 =	sadd.s32 $0x8, s26;
	[tilespmem:s25+$0x7BB0] =	vst.add.f32.msk $0xffff, v1;
	s25 =	sshra.s32 s28, $0x2  }
0x3a: {  	v1 =	vld.idx.msk [tilespmem:v0+s25+$0xFFFFFFC0 ss:$0x1], $0xffff;
	p0 =	slt.u32 s26, $0xF8;
	_ =	sdelay $0x5  }
0x3b: {  	[tilespmem:s25+$0x7B40] =	vst.add.f32.msk $0xffff, v1  }
0x3c: {  	v1 =	vld.idx.msk [tilespmem:v0+s25+$0xFFFFFFD0 ss:$0x1], $0xffff;
	_ =	sdelay $0x5  }
0x3d: {  	[tilespmem:s25+$0x7B50] =	vst.add.f32.msk $0xffff, v1  }
0x3e: {  	v1 =	vld.idx.msk [tilespmem:v0+s25+$0xFFFFFFE0 ss:$0x1], $0xffff;
	_ =	sdelay $0x5  }
0x3f: {  	[tilespmem:s25+$0x7B60] =	vst.add.f32.msk $0xffff, v1  }
0x40: {  	v1 =	vld.idx.msk [tilespmem:v0+s25+$0xFFFFFFF0 ss:$0x1], $0xffff;
	_ =	sdelay $0x5  }
0x41: {  	[tilespmem:s25+$0x7B70] =	vst.add.f32.msk $0xffff, v1  }
0x42: {  	v1 =	vld.idx.msk [tilespmem:v0+s25+$0x0 ss:$0x1], $0xffff;
	_ =	sdelay $0x5  }
0x43: {  	[tilespmem:s25+$0x7B80] =	vst.add.f32.msk $0xffff, v1  }
0x44: {  	v1 =	vld.idx.msk [tilespmem:v0+s25+$0x10 ss:$0x1], $0xffff;
	_ =	sdelay $0x5  }
0x45: {  	[tilespmem:s25+$0x7B90] =	vst.add.f32.msk $0xffff, v1  }
0x46: {  	v1 =	vld.idx.msk [tilespmem:v0+s25+$0x20 ss:$0x1], $0xffff;
	_ =	sdelay $0x5  }
0x47: {  	[tilespmem:s25+$0x7BA0] =	vst.add.f32.msk $0xffff, v1  }
0x48: {  	v1 =	vld.idx.msk [tilespmem:v0+s25+$0x30 ss:$0x1], $0xffff  }
.Ltmp0:
0x49: {  	(pc) =	sbr.rel @p0 .LBB2_3-.Ltmp0, $2  }
0x4a: {  	_ =	sdelay $0x2  }
0x4b: {  	s28 =	sadd.s32 $0x200, s28  }
0x4c: {  	s26 =	sshll.u32 s22, $0xD  }
0x4d: {  	s26 =	sadd.s32 s7, s26  }
0x4e: {  	s26 =	sshrl.u32 s26, $0x3  }
0x4f: {  	[tilespmem:s25+$0x7BB0] =	vst.add.f32.msk $0xffff, v1;
	p0 =	seq.s32 s22, $0x33;
	s31 =	sadd.s32 s2, s26  }
0x50: {  	[hbm4b:s31+s3] =	stream.linear.scatter [tilespmem:s11], [sflag:$0x3], $0x1000, $0x38;
	[tilespmem:$0x9B40] =	vst v63  }
0x51: {  	s25 =	sshll.u32 @!p0 s22, $0x9;
	_ =	swait.ge [sflag:s9], $0x1000  }
0x52: {  	s28 =	simm.s32 @!p0 $0x80;
	s25 =	sand.u32 @!p0 $0x3FFFFE00, s25;
	[sflag:s9] =	ssyncset.done $0x0  }
0x53: {  	s29 =	simm.s32 @!p0 $0x7B40;
	s26 =	sadd.s32 @!p0 $0x200, s25;
	[sflag:s9] =	ssyncadd.s32 $0xFFFFF000  }
0x54: {  	[tilespmem:s29], [sflag:$0x1] =	stream.indirect.gather @!p0 [hbm4b:s4+s28], $0x10, s26, s28, $0xb8;
	[tilespmem:$0x9B40] =	vst v63  }
0x55: {  	s25 =	sadd.s32 @!p0 $0x280, s25;
	s26 =	simm.s32 @!p0 $0x8340  }
0x56: {  	[tilespmem:s26], [sflag:$0x1] =	stream.indirect.gather @!p0 [hbm4b:s4+s28], $0x10, s25, s28, $0xb8;
	[tilespmem:$0x9B40] =	vst v63  }
0x57: {  	_ =	swait.ge [sflag:s16], $0x800  }
0x58: {  	v0 =	vmov s24;
	[sflag:s16] =	ssyncset.done $0x0  }
0x59: {  	[sflag:s16] =	ssyncadd.s32 $0xFFFFF800  }
0x5a: {  	_ =	swait.ge [sflag:s16], $0x800  }
0x5b: {  	[sflag:s16] =	ssyncset.done $0x0  }
0x5c: {  	s24 =	simm.s32 $0x0;
	[sflag:s16] =	ssyncadd.s32 $0xFFFFF800  }
0x5d: {  	v1 =	vld.idx.msk [tilespmem:v0+s24+$0x300 ss:$0x1], $0xffff;
	_ =	sdelay $0x4  }
0x5e: {  	[tilespmem:s24+$0x8B40] =	vst.add.f32.msk $0xffff, v1  }
0x5f: {  	v1 =	vld.idx.msk [tilespmem:v0+s24+$0x310 ss:$0x1], $0xffff;
	_ =	sdelay $0x4  }
0x60: {  	[tilespmem:s24+$0x8B50] =	vst.add.f32.msk $0xffff, v1  }
0x61: {  	v1 =	vld.idx.msk [tilespmem:v0+s24+$0x320 ss:$0x1], $0xffff;
	_ =	sdelay $0x4  }
0x62: {  	[tilespmem:s24+$0x8B60] =	vst.add.f32.msk $0xffff, v1  }
0x63: {  	v1 =	vld.idx.msk [tilespmem:v0+s24+$0x330 ss:$0x1], $0xffff;
	_ =	sdelay $0x4  }
0x64: {  	[tilespmem:s24+$0x8B70] =	vst.add.f32.msk $0xffff, v1  }
0x65: {  	v1 =	vld.idx.msk [tilespmem:v0+s24+$0x340 ss:$0x1], $0xffff;
	_ =	sdelay $0x4  }
0x66: {  	[tilespmem:s24+$0x8B80] =	vst.add.f32.msk $0xffff, v1  }
0x67: {  	v1 =	vld.idx.msk [tilespmem:v0+s24+$0x350 ss:$0x1], $0xffff;
	_ =	sdelay $0x4  }
0x68: {  	[tilespmem:s24+$0x8B90] =	vst.add.f32.msk $0xffff, v1  }
0x69: {  	v1 =	vld.idx.msk [tilespmem:v0+s24+$0x360 ss:$0x1], $0xffff;
	_ =	sdelay $0x4  }
0x6a: {  	[tilespmem:s24+$0x8BA0] =	vst.add.f32.msk $0xffff, v1  }
0x6b: {  	v1 =	vld.idx.msk [tilespmem:v0+s24+$0x370 ss:$0x1], $0xffff;
	_ =	sdelay $0x3  }
0x6c: {  	s25 =	simm.s32 $0x0;
	s26 =	simm.s32 $0x200  }
.LBB2_5:
0x6d: {  	s25 =	sadd.s32 $0x8, s25;
	[tilespmem:s24+$0x8BB0] =	vst.add.f32.msk $0xffff, v1;
	s24 =	sshra.s32 s26, $0x2  }
0x6e: {  	v1 =	vld.idx.msk [tilespmem:v0+s24+$0x300 ss:$0x1], $0xffff;
	p0 =	slt.u32 s25, $0xF8;
	_ =	sdelay $0x5  }
0x6f: {  	[tilespmem:s24+$0x8B40] =	vst.add.f32.msk $0xffff, v1  }
0x70: {  	v1 =	vld.idx.msk [tilespmem:v0+s24+$0x310 ss:$0x1], $0xffff;
	_ =	sdelay $0x5  }
0x71: {  	[tilespmem:s24+$0x8B50] =	vst.add.f32.msk $0xffff, v1  }
0x72: {  	v1 =	vld.idx.msk [tilespmem:v0+s24+$0x320 ss:$0x1], $0xffff;
	_ =	sdelay $0x5  }
0x73: {  	[tilespmem:s24+$0x8B60] =	vst.add.f32.msk $0xffff, v1  }
0x74: {  	v1 =	vld.idx.msk [tilespmem:v0+s24+$0x330 ss:$0x1], $0xffff;
	_ =	sdelay $0x5  }
0x75: {  	[tilespmem:s24+$0x8B70] =	vst.add.f32.msk $0xffff, v1  }
0x76: {  	v1 =	vld.idx.msk [tilespmem:v0+s24+$0x340 ss:$0x1], $0xffff;
	_ =	sdelay $0x5  }
0x77: {  	[tilespmem:s24+$0x8B80] =	vst.add.f32.msk $0xffff, v1  }
0x78: {  	v1 =	vld.idx.msk [tilespmem:v0+s24+$0x350 ss:$0x1], $0xffff;
	_ =	sdelay $0x5  }
0x79: {  	[tilespmem:s24+$0x8B90] =	vst.add.f32.msk $0xffff, v1  }
0x7a: {  	v1 =	vld.idx.msk [tilespmem:v0+s24+$0x360 ss:$0x1], $0xffff;
	_ =	sdelay $0x5  }
0x7b: {  	[tilespmem:s24+$0x8BA0] =	vst.add.f32.msk $0xffff, v1  }
0x7c: {  	v1 =	vld.idx.msk [tilespmem:v0+s24+$0x370 ss:$0x1], $0xffff  }
.Ltmp1:
0x7d: {  	(pc) =	sbr.rel @p0 .LBB2_5-.Ltmp1, $2  }
0x7e: {  	_ =	sdelay $0x2  }
0x7f: {  	s26 =	sadd.s32 $0x200, s26  }
0x80: {  	s23 =	sshll.u32 s23, $0xC  }
0x81: {  	s22 =	sadd.s32 $0x1, s22;
	s23 =	sadd.s32 s7, s23  }
0x82: {  	p0 =	sne.s32 s22, $0x34;
	s23 =	sshrl.u32 s23, $0x3  }
.Ltmp2:
0x83: {  	[tilespmem:s24+$0x8BB0] =	vst.add.f32.msk $0xffff, v1;
	s23 =	sadd.s32 s2, s23;
	(pc) =	sbr.rel @p0 .LBB2_2-.Ltmp2, $4  }
0x84: {  	[hbm4b:s23+s3] =	stream.linear.scatter [tilespmem:s13], [sflag:$0x3], $0x1000, $0x38;
	[tilespmem:$0x9B40] =	vst v63  }
0x85: {  	_ =	swait.ge [sflag:s9], $0x1000  }
0x86: {  	s21 =	sadd.s32 $0x600, s21;
	s20 =	sadd.s32 $0x30, s20;
	[sflag:s9] =	ssyncset.done $0x0  }
0x87: {  	s18 =	sadd.s32 $0x600, s18;
	s19 =	sadd.s32 $0x30, s19;
	[sflag:s9] =	ssyncadd.s32 $0xFFFFF000  }
0x88: {  	s17 =	sadd.s32 $0x1, s17  }
0x89: {  	p0 =	sne.s32 s17, s8  }
.Ltmp3:
0x8a: {  	_ = 	snop;
	(pc) =	sbr.rel @p0 .LBB2_1-.Ltmp3, $1  }
0x8b: {  	_ =	sdelay $0x3  }
0x8c: {  	_ =	sfence.sel $0x180000  }
0x8d: {  	[bflag:$0x0] =	sbarrier.arrive $0xFFFF  }
0x8e: {  	p0 =	sne.s32 s0, $0x0;
	_ =	strace $0x90000047  }
0x8f: {  	s0 =	sadd.s32 @!p0 $0x100000, s1;
	[bflag:$0x2] =	sbarrier.arrive $0xFFFF  }
0x90: {  	[sflag:s0] =	ssyncadd.tile.s32 @!p0 $0x1;
	_ =	shalt  }
.Lfunc_end2:
_tile_overlayer_lowered:
.L_overlay_start_2:
0x91: {  	(tag) =	ssettag $0x2  }
0x92: {  	s0 =	rddreg [dreg:$0x0];
	s2 =	stileid.u32  }
0x93: {  	s1 =	rddreg [dreg:$0x1];
	p0 =	sne.s32 s2, $0x0  }
0x94: {  	s3 =	rddreg [dreg:$0x2];
	[bflag:$0x3] =	sbarrier.arrive $0xFFFF;
	s2 =	simm.s32 @!p0 $0x1C03  }
0x95: {  	[timem:s3], [sflag:s2] =	dma.local @!p0 [hbm:s0], s1  }
0x96: {  	s0 =	simm.s32 @!p0 $0x3  }
0x97: {  	_ =	swait.ge @!p0 [sflag:s0], s1  }
0x98: {  	s1 =	ssub.s32 @!p0 $0x0, s1;
	[sflag:s0] =	ssyncset.done @!p0 $0x0  }
0x99: {  	[sflag:s0] =	ssyncadd.s32 @!p0 s1  }
0x9a: {  	[bflag:$0x3] =	sbarrier.arrive $0xFFFF  }
0x9b: {  	_ =	shalt  }

// kernel: sparse-core-data-format-call.cloned.1.call-start
scs
called_computation_lowered:
.L_overlay_start_0:
0x0: {  	s2 =	sld [smem:$0x3FD9]  }
0x1: {  	s3 =	sld [smem:$0x3FFE];
	_ =	sdelay $0x1  }
0x2: {  	s1 =	srdreg.scid  }
0x3: {  	s0 =	sand.u32 $0x1, s1  }
0x4: {  	s18 =	sshll.u32 s0, $0xA;
	s2 =	sadd.s32 s3, s2  }
0x5: {  	s2 =	sadd.s32 s2, s18  }
0x6: {  	[smem:$0x3FC5] =	sst s2  }
0x7: {  	_ = 	snop  }
0x8: {  	s2 =	sld [smem:$0x3FD0];
	(tm) =	ssettm $0x1  }
0x9: {  	s19 =	sld [smem:$0x3FFB];
	_ =	sdelay $0x3  }
0xa: {  	_ =	strace s19  }
0xb: {  	s3 =	sld [smem:$0x3FFC];
	_ =	sdelay $0x3  }
0xc: {  	_ =	strace s3  }
0xd: {  	s3 =	sld [smem:$0x3FFD];
	_ =	sdelay $0x3  }
0xe: {  	_ =	strace s3  }
0xf: {  	_ =	strace $0x8FFFFFFF  }
0x10: {  	s20 =	sld [smem:$0x3FDB];
	_ =	sdelay $0x1  }
0x11: {  	s4 =	simm.s32 $_scs_section_size  }
0x12: {  	s5 =	simm.s32 $_size__tile_overlayer_lowered;
	s6 =	simm.s32 $_tile_overlayer_lowered  }
0x13: {  	s23 =	simm.s32 $0x1BFF;
	s22 =	sshll.u32 s6, $0x1;
	s3 =	sadd.s32 s4, s20  }
0x14: {  	s7 =	simm.s32 $0x0;
	s21 =	sshll.u32 s5, $0x1;
	s5 =	sadd.s32 s22, s3  }
0x15: {  	[timem:s7], [sflag:s23] =	dma.local [hbm:s5], s21  }
0x16: {  	_ =	swait.ge [sflag:s23], s21  }
0x17: {  	s4 =	ssub.s32 $0x0, s21;
	[sflag:s23] =	ssyncset.done $0x0  }
0x18: {  	[sflag:s23] =	ssyncadd.s32 s4;
	_ =	sdelay $0x1  }
0x19: {  	s24 =	simm.s32 $0x1B8B  }
0x1a: {  	_ =	swait.ge [sflag:s24], $0x1  }
0x1b: {  	[sflag:s24] =	ssyncset.done $0x0  }
0x1c: {  	s26 =	simm.s32 $0x1B8E;
	s25 =	sld [smem:$0x3FFE];
	[sflag:s24] =	ssyncadd.s32 $0xFFFFFFFF  }
0x1d: {  	s27 =	simm.s32 $execute0_lowered;
	[smem:$0x3FD2] =	sst s26  }
0x1e: {  	s5 =	sshll.u32 s27, $0x1;
	_ =	strace $0x80000049;
	[dreg:$0x1] =	wrdreg $0xFFFFFFFF  }
0x1f: {  	s28 =	simm.s32 $_size_execute0_lowered;
	s3 =	sadd.s32 s3, s5;
	[dreg:$0x0] =	wrdreg $0x0  }
0x20: {  	s5 =	sshll.u32 s28, $0x1;
	[dreg:$0x2] =	wrdreg s3  }
0x21: {  	[dreg:$0x3] =	wrdreg s5  }
0x22: {  	[dreg:$0x4] =	wrdreg $0xC0  }
0x23: {  	_ =	task [dreg:s7], $0x5FFFF  }
0x24: {  	[dreg:$0x1] =	wrdreg $0xFFFFFFFF  }
0x25: {  	[dreg:$0x0] =	wrdreg $0x60  }
0x26: {  	[dreg:$0x2] =	wrdreg s25  }
0x27: {  	[dreg:$0x3] =	wrdreg s2  }
0x28: {  	[dreg:$0x4] =	wrdreg $0x9  }
0x29: {  	_ =	task.clear_ibuf [dreg:s7], $0x5FFFF;
	_ =	strace $0x90000049  }
0x2a: {  	s29 =	simm.s32 $0x9;
	_ =	strace $0x8000004B  }
0x2b: {  	_ =	swait.ge [sflag:s29], $0x1  }
0x2c: {  	[sflag:s29] =	ssyncadd.s32 $0xFFFFFFFF  }
0x2d: {  	_ =	strace $0x9000004B  }
0x2e: {  	_ =	sfence  }
0x2f: {  	s30 =	sld [smem:$0x0];
	_ =	sdelay $0x2  }
0x30: {  	s31 =	sshll.u32 s1, $0xD;
	s1 =	sshrl.u32 s1, $0x2  }
0x31: {  	s3 =	sand.u32 $0x4000, s31;
	s1 =	sadd.s32 s1, s30  }
0x32: {  	s0 =	sor.u32 s3, s0;
	s1 =	sshll.u32 s1, $0x11  }
0x33: {  	s0 =	sor.u32 s1, s0  }
0x34: {  	s0 =	sadd.s32 $0x8F2B, s0  }
0x35: {  	[sflag:s0] =	ssyncadd.remote.s32 $0x1  }
0x36: {  	_ =	sfence.sel $0xFFFF  }
0x37: {  	[dreg:$0x0] =	wrdreg $0xFFFFFFFF;
	(pc) =	sbr.abs _section_cstart, $3  }
0x38: {  	[dreg:$0x1] =	wrdreg $0xFFFFFFFF  }
0x39: {  	_ =	task.clear_ibuf [dreg:s7], $0x2FFFF;
	_ =	strace $0x9FFFFFFF  }
0x3a: {  	(tm) =	ssettm $0x7FFFFFFF  }
0x3b: {  	_ =	shalt  }
tec
execute0_lowered:
.L_overlay_start_1:
0x0: {  	(tag) =	ssettag $0x1  }
0x1: {  	s0 =	srdreg.scid  }
0x2: {  	s1 =	sshll.u32 s0, $0x4  }
0x3: {  	s0 =	stileid.u32;
	s1 =	sand.u32 $0x10, s1  }
0x4: {  	s1 =	sor.u32 s0, s1  }
0x5: {  	s6 =	rddreg [dreg:$0x0];
	s4 =	simm.s32 $0x1;
	s2 =	sshll.u32 s1, $0x7  }
0x6: {  	s7 =	simm.s32 $0x2;
	s12 =	simm.s32 $0x0;
	s1 =	ssub.s32 $0x4000, s2  }
0x7: {  	s8 =	simm.s32 $0x20000;
	s13 =	simm.s32 $0x0;
	s3 =	sand.u32 $0xF80, s1  }
0x8: {  	s9 =	simm.s32 $0x0;
	s5 =	sshrl.u32 s1, $0xC;
	p0 =	sne.s32 s3, $0x0  }
.Ltmp0:
0x9: {  	s1 =	rddreg [dreg:$0x2];
	s4 =	simm.s32 @!p0 $0x0;
	(pc) =	sbr.rel .LBB1_1-.Ltmp0, $4  }
0xa: {  	s11 =	simm.s32 $0x0;
	s3 =	rddreg [dreg:$0x1];
	s5 =	sadd.s32 s4, s5  }
0xb: {  	_ =	strace $0x8000004A;
	s4 =	simm.s32 $0x1;
	s5 =	smul.u32 $0x1A, s5  }
0xc: {  	s6 =	sadd.s32 $0x800, s6;
	s10 =	smov.u32 s2;
	[sflag:s4] =	ssyncpa.u1 $0x0  }
0xd: {  	p0 =	por $0x0, $0x0;
	[sflag:s7] =	ssyncpa.u1 $0x0;
	s7 =	sor.u32 $0x1, s5  }
.LBB1_4:
0xe: {  	s16 =	sshll.u32 s13, $0x3;
	s17 =	sand.u32 $0x78, s13  }
0xf: {  	s30 =	sand.u32 $0xF800, s13;
	s12 =	sshll.u32 s12, $0x10;
	s16 =	sand.u32 $0x3C00, s16  }
0x10: {  	s31 =	sand.u32 $0x7, s13;
	s16 =	sor.u32 s17, s16;
	s17 =	sadd.s32 s3, s30  }
0x11: {  	s13 =	sshll.u32 s31, $0x12;
	s16 =	sshrl.u32 s16, $0x3;
	s12 =	sadd.s32 s12, s17  }
0x12: {  	[tilespmem:s15+$0x0 ss:$0x81] =	vst.msk $0xffff, v0;
	s13 =	sor.u32 $0x400, s13;
	s12 =	sadd.s32 s16, s12  }
0x13: {  	[hbm4b:s12+s13] =	stream.strided.scatter [tilespmem:s14], [sflag:$0x2], $0x1000, s8, s13, $0x20;
	[tilespmem:$0x4040] =	vst v63  }
.LBB1_5:
0x14: {  	s14 =	sadd.s32 $0x1, s9  }
0x15: {  	s12 =	sadd.s32 $0x1000, s10;
	s16 =	smov.u32 s10;
	p2 =	sgt.s32 s14, $0x19  }
0x16: {  	s16 =	smov.u32 @p2 s12  }
0x17: {  	s14 =	simm.s32 @p2 $0x0;
	p2 =	sgt.s32 s16, $0x3FFF  }
0x18: {  	s16 =	smov.u32 @p2 s2;
	p2 =	sne.s32 s11, s7  }
.Ltmp1:
0x19: {  	p1 =	slt.u32 s11, $0x2;
	(pc) =	sbr.rel @!p2 .LBB1_6-.Ltmp1, $4  }
0x1a: {  	s15 =	simm.s32 @!p1 $0x2  }
0x1b: {  	s13 =	smov.u32 s10;
	p0 =	por !p0, !p0;
	_ =	swait.ge @!p1 [sflag:s15], $0x1000  }
0x1c: {  	s12 =	smov.u32 s9;
	[sflag:s15] =	ssyncset.done @!p1 $0x0;
	s9 =	smov.u32 s14  }
0x1d: {  	s11 =	sadd.s32 $0x1, s11;
	[sflag:s15] =	ssyncadd.s32 @!p1 $0xFFFFF000;
	s10 =	smov.u32 s16  }
.LBB1_1:
0x1e: {  	p1 =	sge.u32 s11, s5  }
0x1f: {  	s31 =	sadd.s32 $0xFFFFFFFF, s11;
	s14 =	sxor.u32 @!p1 $0xFFFFFFFF, s11  }
0x20: {  	s15 =	sshll.u32 @!p1 s10, $0x9;
	s16 =	sshll.u32 @!p1 s9, $0x4;
	s17 =	simm.s32 @!p1 $0x1000  }
0x21: {  	s14 =	sshll.u32 @!p1 s14, $0xC;
	s16 =	sand.u32 @!p1 $0x1F0, s16;
	s15 =	sadd.s32 @!p1 s6, s15  }
0x22: {  	s14 =	sand.u32 @!p1 $0x1000, s14;
	s15 =	sadd.s32 @!p1 s16, s15;
	s16 =	simm.s32 @!p1 $0x20  }
0x23: {  	[tilespmem:s14], [sflag:$0x1] =	stream.strided.gather @!p1 [hbm4b:s15+s16], $0x1000, s17, s16, $0x38;
	[tilespmem:$0x4040] =	vst v63  }
0x24: {  	p1 =	sge.u32 s31, s5  }
.Ltmp2:
0x25: {  	_ = 	snop;
	(pc) =	sbr.rel @p1 .LBB1_5-.Ltmp2, $1  }
0x26: {  	_ =	sdelay $0x3  }
0x27: {  	s14 =	simm.s32 $0x1  }
0x28: {  	_ =	swait.ge [sflag:s4], $0x1000;
	s14 =	simm.s32 @!p0 $0x0  }
0x29: {  	[sflag:s4] =	ssyncset.done $0x0;
	s15 =	sshll.u32 s14, $0xC  }
0x2a: {  	[sflag:s4] =	ssyncadd.s32 $0xFFFFF000;
	s18 =	sor.u32 $0x10, s15  }
0x2b: {  	s14 =	smul.u32 $0x4080, s14;
	v1 =	vld [tilespmem:s18+$0x0]  }
0x2c: {  	s30 =	sand.u32 $0x1, s11;
	v0 =	vld [tilespmem:s18+$0xFFFFFFF0]  }
0x2d: {  	s15 =	smul.u32 $0x4080, s30;
	s14 =	sshrl.u32 s14, $0x2  }
0x2e: {  	s16 =	sor.u32 $0x2000, s14  }
0x2f: {  	s31 =	sshrl.u32 s15, $0x2;
	s15 =	sadd.s32 $0x0, s16  }
0x30: {  	s17 =	simm.s32 $0x4;
	s18 =	sadd.s32 $0x20, s18;
	s14 =	sor.u32 $0x2000, s31;
	[tilespmem:s15+$0x810 ss:$0x81] =	vst.msk $0xffff, v1  }
.LBB1_3:
0x31: {  	v1 =	vld [tilespmem:s18+$0x0];
	p1 =	sne.s32 s17, $0x1FC;
	[tilespmem:s15+$0x0 ss:$0x81] =	vst.msk $0xffff, v0;
	s15 =	smov.u32 s17;
	s17 =	sadd.s32 $0x4, s17  }
.Ltmp3:
0x32: {  	v0 =	vld [tilespmem:s18+$0xFFFFFFF0];
	(pc) =	sbr.rel @p1 .LBB1_3-.Ltmp3, $4  }
0x33: {  	_ = 	snop  }
0x34: {  	s15 =	sshra.s32 s15, $0x2  }
0x35: {  	s15 =	sadd.s32 s15, s16  }
0x36: {  	s18 =	sadd.s32 $0x20, s18;
	[tilespmem:s15+$0x810 ss:$0x81] =	vst.msk $0xffff, v1  }
.Ltmp4:
0x37: {  	_ = 	snop;
	(pc) =	sbr.rel .LBB1_4-.Ltmp4, $1  }
0x38: {  	_ =	sdelay $0x3  }
.LBB1_6:
0x39: {  	_ =	sfence.sel $0x180000  }
0x3a: {  	s2 =	simm.s32 $0x1;
	[bflag:$0x0] =	sbarrier.arrive $0xFFFF  }
0x3b: {  	s31 =	simm.s32 $0x2;
	[sflag:s2] =	ssyncpa.u1 $0x1  }
0x3c: {  	[sflag:s31] =	ssyncpa.u1 $0x1  }
0x3d: {  	p0 =	sne.s32 s0, $0x0;
	_ =	strace $0x9000004A  }
0x3e: {  	s0 =	sadd.s32 @!p0 $0x100000, s1;
	[bflag:$0x2] =	sbarrier.arrive $0xFFFF  }
0x3f: {  	[sflag:s0] =	ssyncadd.tile.s32 @!p0 $0x1;
	_ =	shalt  }
.Lfunc_end1:
_tile_overlayer_lowered:
.L_overlay_start_2:
0x40: {  	(tag) =	ssettag $0x2  }
0x41: {  	s0 =	rddreg [dreg:$0x0];
	s2 =	stileid.u32  }
0x42: {  	s1 =	rddreg [dreg:$0x1];
	p0 =	sne.s32 s2, $0x0  }
0x43: {  	s3 =	rddreg [dreg:$0x2];
	[bflag:$0x3] =	sbarrier.arrive $0xFFFF;
	s2 =	simm.s32 @!p0 $0x1C01  }
0x44: {  	[timem:s3], [sflag:s2] =	dma.local @!p0 [hbm:s0], s1  }
0x45: {  	s0 =	simm.s32 @!p0 $0x1  }
0x46: {  	_ =	swait.ge @!p0 [sflag:s0], s1  }
0x47: {  	s1 =	ssub.s32 @!p0 $0x0, s1;
	[sflag:s0] =	ssyncset.done @!p0 $0x0  }
0x48: {  	[sflag:s0] =	ssyncadd.s32 @!p0 s1  }
0x49: {  	[bflag:$0x3] =	sbarrier.arrive $0xFFFF  }
0x4a: {  	_ =	shalt  }

</sc_bundles>
